<compile_context>
chip_gen: v7x
topology: tpu7x:2x2x1
jax: 0.10.2.dev20260603
libtpu: 0.0.44.dev20260713+nightly
codegen_flags: <defaults>
</compile_context>

<pallas_src>
import functools

import jax
import jax.numpy as jnp
from jax import lax
from jax.experimental import pallas as pl
from jax.experimental.pallas import tpu as pltpu
from jax.experimental.pallas import tpu_sc as plsc

N = 10000
E = 320000
F = 128
H = 256
O = 128
EPS = 1e-5

NC = 2
NS = 16
NW = NC * NS
CHUNK = 128
N_PAD = 10240
CPT = 2 * (-(-E // (NW * CHUNK * 2)))
EPT = CPT * CHUNK
E_PAD = NW * EPT
QH = 40
NQS = E_PAD // (QH * CHUNK)
Q_FAST = 3
Q_SLOW = 4 - Q_FAST

_ROWS_PT = N_PAD // NS



def _sc_mesh():
    return plsc.VectorSubcoreMesh(
        core_axis_name="c", subcore_axis_name="s",
        num_cores=NC, num_subcores=NS)


@functools.cache
def _build_deg_kernel():
    return functools.partial(
        pl.kernel,
        out_type=jax.ShapeDtypeStruct((NC, N_PAD), jnp.float32),
        mesh=_sc_mesh(),
        scratch_types=[
            pltpu.VMEM((CPT, CHUNK), jnp.int32),
            pltpu.VMEM((CHUNK,), jnp.float32),
            pltpu.VMEM_SHARED((N_PAD,), jnp.float32),
            pltpu.SemaphoreType.DMA,
        ],
    )(_deg_body)


def _deg_body(dst_hbm, zeros_hbm, out_hbm, dst_v, ones_v, deg_sh, sem):
    c = lax.axis_index("c")
    s = lax.axis_index("s")
    wid = s * NC + c
    r0 = s * _ROWS_PT
    pltpu.sync_copy(zeros_hbm.at[pl.ds(r0, _ROWS_PT)],
                    deg_sh.at[pl.ds(r0, _ROWS_PT)])
    pltpu.sync_copy(dst_hbm.at[wid], dst_v)
    for i in range(CHUNK // 16):
        ones_v[pl.ds(16 * i, 16)] = jnp.ones((16,), jnp.float32)
    plsc.subcore_barrier()

    @pl.loop(0, CPT)
    def _(j):
        pltpu.sync_copy(ones_v, deg_sh.at[dst_v.at[j]], add=True)

    plsc.subcore_barrier()
    pltpu.sync_copy(deg_sh.at[pl.ds(r0, _ROWS_PT)],
                    out_hbm.at[c, pl.ds(r0, _ROWS_PT)])


@functools.cache
def _build_agg_kernel():
    return functools.partial(
        pl.kernel,
        out_type=jax.ShapeDtypeStruct((NC, N_PAD, F), jnp.float32),
        mesh=_sc_mesh(),
        scratch_types=[
            pltpu.VMEM((QH, CHUNK), jnp.int32),
            pltpu.VMEM((QH, CHUNK), jnp.int32),
            pltpu.VMEM((CHUNK, F), jnp.float32),
            pltpu.VMEM((CHUNK, F), jnp.float32),
            pltpu.VMEM_SHARED((N_PAD, F), jnp.float32),
            pltpu.SemaphoreType.DMA,
            pltpu.SemaphoreType.DMA,
        ],
    )(_agg_body)


def _agg_body(y_hbm, src_hbm, dst_hbm, zeros_hbm, out_hbm,
              src_v, dst_v, buf0, buf1, agg_sh, sem0, sem1):
    c = lax.axis_index("c")
    s = lax.axis_index("s")
    r0 = s * _ROWS_PT
    pltpu.sync_copy(zeros_hbm.at[pl.ds(r0, _ROWS_PT)],
                    agg_sh.at[pl.ds(r0, _ROWS_PT)])
    plsc.subcore_barrier()

    def do_unit(q):
        pltpu.sync_copy(src_hbm.at[q], src_v)
        pltpu.sync_copy(dst_hbm.at[q], dst_v)

        pltpu.async_copy(y_hbm.at[src_v.at[0]], buf0, sem0).wait()

        @pl.loop(0, QH, step=2)
        def _(j):
            nxt1 = pltpu.async_copy(y_hbm.at[src_v.at[j + 1]], buf1, sem1)
            pltpu.sync_copy(buf0, agg_sh.at[dst_v.at[j]], add=True)
            nxt1.wait()

            @pl.when(j + 2 < QH)
            def _():
                pltpu.async_copy(y_hbm.at[src_v.at[j + 2]], buf0, sem0)

            pltpu.sync_copy(buf1, agg_sh.at[dst_v.at[j + 1]], add=True)

            @pl.when(j + 2 < QH)
            def _():
                pltpu.make_async_copy(
                    y_hbm.at[src_v.at[j + 2]], buf0, sem0).wait()

    @pl.when(c == 0)
    def _():
        @pl.loop(0, Q_FAST)
        def _(q):
            do_unit(s * (Q_FAST + Q_SLOW) + q)

    @pl.when(c == 1)
    def _():
        @pl.loop(0, Q_SLOW)
        def _(q):
            do_unit(s * (Q_FAST + Q_SLOW) + Q_FAST + q)

    plsc.subcore_barrier()
    pltpu.sync_copy(agg_sh.at[pl.ds(r0, _ROWS_PT)],
                    out_hbm.at[c, pl.ds(r0, _ROWS_PT)])



_RB = 512
_GRID = N_PAD // _RB


def _prep_body(p0, p1, x, dinv_ref, y_ref):
    deg = p0[...] + p1[...] + 1.0
    dinv = lax.rsqrt(deg)
    dinv_ref[...] = dinv
    y_ref[...] = dinv * x[...]


def _tc_prep(p0, p1, x):
    return pl.pallas_call(
        _prep_body,
        grid=(_GRID,),
        in_specs=[
            pl.BlockSpec((_RB, 1), lambda i: (i, 0)),
            pl.BlockSpec((_RB, 1), lambda i: (i, 0)),
            pl.BlockSpec((_RB, F), lambda i: (i, 0)),
        ],
        out_specs=[
            pl.BlockSpec((_RB, 1), lambda i: (i, 0)),
            pl.BlockSpec((_RB, F), lambda i: (i, 0)),
        ],
        out_shape=[
            jax.ShapeDtypeStruct((N_PAD, 1), jnp.float32),
            jax.ShapeDtypeStruct((N_PAD, F), jnp.float32),
        ],
    )(p0, p1, x)


def _l1_body(a0, a1, y, dinv, w, b, t_ref, stats_ref):
    i = pl.program_id(0)
    pre = dinv[...] * (a0[...] + a1[...] + y[...])
    t = jnp.dot(pre, w[...], preferred_element_type=jnp.float32,
                precision=lax.Precision.HIGHEST) + b[...]
    t_ref[...] = t
    rows = i * _RB + lax.broadcasted_iota(jnp.int32, (_RB, 1), 0)
    tm = jnp.where(rows < N, t, 0.0)
    st = jnp.concatenate(
        [jnp.sum(tm, axis=0, keepdims=True),
         jnp.sum(tm * tm, axis=0, keepdims=True)], axis=0)

    @pl.when(i == 0)
    def _():
        stats_ref[...] = st

    @pl.when(i > 0)
    def _():
        stats_ref[...] += st


def _tc_layer1(a0, a1, y, dinv, w1, b1):
    return pl.pallas_call(
        _l1_body,
        grid=(_GRID,),
        in_specs=[
            pl.BlockSpec((_RB, F), lambda i: (i, 0)),
            pl.BlockSpec((_RB, F), lambda i: (i, 0)),
            pl.BlockSpec((_RB, F), lambda i: (i, 0)),
            pl.BlockSpec((_RB, 1), lambda i: (i, 0)),
            pl.BlockSpec((F, H), lambda i: (0, 0)),
            pl.BlockSpec((1, H), lambda i: (0, 0)),
        ],
        out_specs=[
            pl.BlockSpec((_RB, H), lambda i: (i, 0)),
            pl.BlockSpec((2, H), lambda i: (0, 0)),
        ],
        out_shape=[
            jax.ShapeDtypeStruct((N_PAD, H), jnp.float32),
            jax.ShapeDtypeStruct((2, H), jnp.float32),
        ],
    )(a0, a1, y, dinv, w1, b1)


def _l2_body(t, stats, gamma, beta, dinv, w2, z_ref):
    mean = stats[0:1, :] * (1.0 / N)
    var = stats[1:2, :] * (1.0 / N) - mean * mean
    scale = lax.rsqrt(var + EPS) * gamma[...]
    h = jnp.maximum((t[...] - mean) * scale + beta[...], 0.0)
    z_ref[...] = dinv[...] * jnp.dot(
        h, w2[...], preferred_element_type=jnp.float32,
        precision=lax.Precision.HIGHEST)


def _tc_layer2(t, stats, gamma, beta, dinv, w2):
    return pl.pallas_call(
        _l2_body,
        grid=(_GRID,),
        in_specs=[
            pl.BlockSpec((_RB, H), lambda i: (i, 0)),
            pl.BlockSpec((2, H), lambda i: (0, 0)),
            pl.BlockSpec((1, H), lambda i: (0, 0)),
            pl.BlockSpec((1, H), lambda i: (0, 0)),
            pl.BlockSpec((_RB, 1), lambda i: (i, 0)),
            pl.BlockSpec((H, O), lambda i: (0, 0)),
        ],
        out_specs=pl.BlockSpec((_RB, O), lambda i: (i, 0)),
        out_shape=jax.ShapeDtypeStruct((N_PAD, O), jnp.float32),
    )(t, stats, gamma, beta, dinv, w2)


def _fin_body(g0, g1, z, dinv, b2, out_ref):
    out_ref[...] = dinv[...] * (g0[...] + g1[...] + z[...]) + b2[...]


def _tc_final(g0, g1, z, dinv, b2):
    return pl.pallas_call(
        _fin_body,
        grid=(_GRID,),
        in_specs=[
            pl.BlockSpec((_RB, O), lambda i: (i, 0)),
            pl.BlockSpec((_RB, O), lambda i: (i, 0)),
            pl.BlockSpec((_RB, O), lambda i: (i, 0)),
            pl.BlockSpec((_RB, 1), lambda i: (i, 0)),
            pl.BlockSpec((1, O), lambda i: (0, 0)),
        ],
        out_specs=pl.BlockSpec((_RB, O), lambda i: (i, 0)),
        out_shape=jax.ShapeDtypeStruct((N_PAD, O), jnp.float32),
    )(g0, g1, z, dinv, b2)



def kernel(x, edge_index, W1, b1, gamma, beta, W2, b2):
    pad = E_PAD - E
    src = jnp.concatenate([edge_index[0], jnp.full((pad,), N, jnp.int32)])
    dst = jnp.concatenate([edge_index[1], jnp.full((pad,), N, jnp.int32)])
    src_slab = src.reshape(NQS, QH, CHUNK)
    dst_slab = dst.reshape(NQS, QH, CHUNK)
    dst_slab_deg = dst.reshape(NW, CPT, CHUNK)
    x_pad = jnp.concatenate(
        [x, jnp.zeros((N_PAD - N, F), jnp.float32)], axis=0)
    zeros_vec = jnp.zeros((N_PAD,), jnp.float32)
    zeros_rows = jnp.zeros((N_PAD, F), jnp.float32)

    degp = _build_deg_kernel()(dst_slab_deg, zeros_vec)
    dinv, y1 = _tc_prep(degp[0].reshape(N_PAD, 1),
                        degp[1].reshape(N_PAD, 1), x_pad)

    agg1 = _build_agg_kernel()(y1, src_slab, dst_slab, zeros_rows)
    t, stats = _tc_layer1(agg1[0], agg1[1], y1, dinv,
                          W1, b1.reshape(1, H))

    z2 = _tc_layer2(t, stats, gamma.reshape(1, H), beta.reshape(1, H),
                    dinv, W2)
    agg2 = _build_agg_kernel()(z2, src_slab, dst_slab, zeros_rows)
    out = _tc_final(agg2[0], agg2[1], z2, dinv, b2.reshape(1, O))
    return out[:N]

# --- scband reference (transcript-rebuilt; emitter-appended) ---
"""Pipeline reference for scband-gcn-net-49624052138585 (READ-ONLY COPY).

The authoritative reference and input builder live on the scoring server;
editing this copy changes nothing except your own understanding.
"""

import jax, jax.numpy as jnp
import numpy as np

N = 10000
E = 320000
F = 128
H = 256
O = 128
EPS = 1e-5


def setup_inputs(seed: int = 0) -> dict:
    key = jax.random.key(seed)
    ks = jax.random.split(key, 8)
    x = jax.random.normal(ks[0], (N, F), dtype=jnp.float32)
    edge_index = jax.random.randint(ks[1], (2, E), 0, N, dtype=jnp.int32)
    W1 = jax.random.normal(ks[2], (F, H), dtype=jnp.float32) * (1.0 / np.sqrt(F))
    b1 = jnp.zeros((H,), dtype=jnp.float32)
    gamma = jnp.ones((H,), dtype=jnp.float32)
    beta = jnp.zeros((H,), dtype=jnp.float32)
    W2 = jax.random.normal(ks[3], (H, O), dtype=jnp.float32) * (1.0 / np.sqrt(H))
    b2 = jnp.zeros((O,), dtype=jnp.float32)
    return {"x": x, "edge_index": edge_index, "W1": W1, "b1": b1,
            "gamma": gamma, "beta": beta, "W2": W2, "b2": b2}


def gcn_conv(x, edge_index, W, b, n_nodes):
    # GCNConv: add self-loops, symmetric normalization, linear transform, scatter-add
    src = edge_index[0]
    dst = edge_index[1]
    loop = jnp.arange(n_nodes, dtype=src.dtype)
    src = jnp.concatenate([src, loop])
    dst = jnp.concatenate([dst, loop])
    deg = jnp.zeros((n_nodes,), dtype=x.dtype).at[dst].add(1.0)
    dinv = jnp.where(deg > 0, jax.lax.rsqrt(deg), 0.0)
    norm = dinv[src] * dinv[dst]
    h = x @ W
    msg = h[src] * norm[:, None]
    out = jnp.zeros((n_nodes, W.shape[1]), dtype=x.dtype).at[dst].add(msg)
    return out + b


def batch_norm(h, gamma, beta):
    # BatchNorm1d in training mode: batch statistics (biased variance)
    mean = jnp.mean(h, axis=0)
    var = jnp.var(h, axis=0)
    return (h - mean) * jax.lax.rsqrt(var + EPS) * gamma + beta


def reference(x, edge_index, W1, b1, gamma, beta, W2, b2):
    h = gcn_conv(x, edge_index, W1, b1, N)
    h = batch_norm(h, gamma, beta)
    h = jax.nn.relu(h)
    out = gcn_conv(h, edge_index, W2, b2, N)
    return out

if __name__ == "__main__":
    import jax
    _d = setup_inputs()
    print(jax.jit(kernel)(*tuple(_d.values())))

</pallas_src>

<mosaic_0001>
#map = affine_map<(d0, d1) -> (0, 0)>
#map1 = affine_map<(d0, d1) -> (0, 0, 0)>
module attributes {stable_mosaic.version = 14 : i64} {
  func.func @_agg_body(%arg0: i32, %arg1: i32, %arg2: memref<10240x128xf32, #tpu.memory_space<hbm>>, %arg3: memref<64x40x128xi32, #tpu.memory_space<hbm>>, %arg4: memref<64x40x128xi32, #tpu.memory_space<hbm>>, %arg5: memref<10240x128xf32, #tpu.memory_space<hbm>>, %arg6: memref<2x10240x128xf32, #tpu.memory_space<hbm>>, %arg7: memref<40x128xi32, #tpu.memory_space<vmem>>, %arg8: memref<40x128xi32, #tpu.memory_space<vmem>>, %arg9: memref<128x128xf32, #tpu.memory_space<vmem>>, %arg10: memref<128x128xf32, #tpu.memory_space<vmem>>, %arg11: memref<10240x128xf32, #tpu.memory_space<vmem_shared>>, %arg12: memref<!tpu.dma_semaphore, #tpu.memory_space<semaphore_mem>>, %arg13: memref<!tpu.dma_semaphore, #tpu.memory_space<semaphore_mem>>) attributes {dimension_semantics = [#tpu.dimension_semantics<core_parallel>, #tpu.dimension_semantics<subcore_parallel>], iteration_bounds = array<i64: 2, 16>, scalar_prefetch = 0 : i64, scratch_operands = 7 : i64, tpu.core_type = #tpu.core_type<sc_vector_subcore>, window_params = [{transform_indices = #map}, {transform_indices = #map1}, {transform_indices = #map1}, {transform_indices = #map}, {transform_indices = #map1}]} {
    %mul3A = arith.constant 640 : i32
    %mul3A_0 = arith.muli %arg1, %mul3A : i32
    "tpu.region"() ({
      %run_scoped3A = tpu.sem_alloc : memref<!tpu.dma_semaphore, #tpu.memory_space<semaphore_mem>>
      %dma_start3A = arith.constant 0 : i32
      %dma_start3A_9 = tpu.memref_slice %arg11[%mul3A_0, %dma_start3A] : memref<10240x128xf32, #tpu.memory_space<vmem_shared>> -> memref<640x128xf32, #tpu.memory_space<vmem_shared>>
      %dma_start3A_10 = arith.constant 0 : i32
      %dma_start3A_11 = tpu.memref_slice %arg5[%mul3A_0, %dma_start3A_10] : memref<10240x128xf32, #tpu.memory_space<hbm>> -> memref<640x128xf32, #tpu.memory_space<hbm>>
      tpu.enqueue_dma source(%dma_start3A_11 : memref<640x128xf32, #tpu.memory_space<hbm>>) target(%dma_start3A_9 : memref<640x128xf32, #tpu.memory_space<vmem_shared>>) target_semaphore(%run_scoped3A : memref<!tpu.dma_semaphore, #tpu.memory_space<semaphore_mem>>)
      %dma_wait3A = arith.constant 0 : i32
      %dma_wait3A_12 = tpu.memref_slice %arg11[%mul3A_0, %dma_wait3A] : memref<10240x128xf32, #tpu.memory_space<vmem_shared>> -> memref<640x128xf32, #tpu.memory_space<vmem_shared>>
      %dma_wait3A_13 = arith.constant 0 : i32
      %dma_wait3A_14 = tpu.memref_slice %arg5[%mul3A_0, %dma_wait3A_13] : memref<10240x128xf32, #tpu.memory_space<hbm>> -> memref<640x128xf32, #tpu.memory_space<hbm>>
      tpu.wait_dma2 semaphore(%run_scoped3A : memref<!tpu.dma_semaphore, #tpu.memory_space<semaphore_mem>>) src(%dma_wait3A_14 : memref<640x128xf32, #tpu.memory_space<hbm>>) dst(%dma_wait3A_12 : memref<640x128xf32, #tpu.memory_space<vmem_shared>>)
      tpu.yield
    }) : () -> ()
    %barrier3A = arith.constant 0 : index
    tpu.barrier barrier_id(%barrier3A)
    %eq3A = arith.constant 0 : i32
    %eq3A_1 = arith.cmpi eq, %arg0, %eq3A : i32
    %convert_element_type3A = arith.extui %eq3A_1 : i1 to i32
    %cond3A = arith.constant 0 : i32
    %cond3A_2 = arith.cmpi ne, %convert_element_type3A, %cond3A : i32
    scf.if %cond3A_2 {
      %scan3A = arith.constant 0 : i32
      %scan3A_9 = arith.constant 3 : i32
      %scan3A_10 = arith.addi %scan3A, %scan3A_9 : i32
      %scan3A_11 = arith.constant 1 : i32
      scf.for %scan3A_13 = %scan3A to %scan3A_10 step %scan3A_11  : i32 {
        %mul3A_14 = arith.constant 1 : i32
        %mul3A_15 = arith.muli %scan3A_13, %mul3A_14 : i32
        %add3A = arith.constant 0 : i32
        %add3A_16 = arith.addi %add3A, %mul3A_15 : i32
        %mul3A_17 = arith.constant 4 : i32
        %mul3A_18 = arith.muli %arg1, %mul3A_17 : i32
        %add3A_19 = arith.addi %mul3A_18, %add3A_16 : i32
        "tpu.region"() ({
          %run_scoped3A = tpu.sem_alloc : memref<!tpu.dma_semaphore, #tpu.memory_space<semaphore_mem>>
          %dma_start3A_37 = arith.constant 0 : i32
          %dma_start3A_38 = arith.constant 0 : i32
          %dma_start3A_39 = tpu.memref_slice %arg3[%add3A_19, %dma_start3A_37, %dma_start3A_38] : memref<64x40x128xi32, #tpu.memory_space<hbm>> -> memref<1x40x128xi32, #tpu.memory_space<hbm>>
          %dma_start3A_40 = tpu.memref_squeeze %dma_start3A_39 : memref<1x40x128xi32, #tpu.memory_space<hbm>> -> memref<40x128xi32, #tpu.memory_space<hbm>>
          %dma_start3A_41 = arith.constant 0 : i32
          %dma_start3A_42 = arith.constant 0 : i32
          %dma_start3A_43 = tpu.memref_slice %arg3[%add3A_19, %dma_start3A_41, %dma_start3A_42] : memref<64x40x128xi32, #tpu.memory_space<hbm>> -> memref<1x40x128xi32, #tpu.memory_space<hbm>>
          %dma_start3A_44 = tpu.memref_squeeze %dma_start3A_43 : memref<1x40x128xi32, #tpu.memory_space<hbm>> -> memref<40x128xi32, #tpu.memory_space<hbm>>
          tpu.enqueue_dma source(%dma_start3A_44 : memref<40x128xi32, #tpu.memory_space<hbm>>) target(%arg7 : memref<40x128xi32, #tpu.memory_space<vmem>>) target_semaphore(%run_scoped3A : memref<!tpu.dma_semaphore, #tpu.memory_space<semaphore_mem>>)
          %dma_wait3A_45 = arith.constant 0 : i32
          %dma_wait3A_46 = arith.constant 0 : i32
          %dma_wait3A_47 = tpu.memref_slice %arg3[%add3A_19, %dma_wait3A_45, %dma_wait3A_46] : memref<64x40x128xi32, #tpu.memory_space<hbm>> -> memref<1x40x128xi32, #tpu.memory_space<hbm>>
          %dma_wait3A_48 = tpu.memref_squeeze %dma_wait3A_47 : memref<1x40x128xi32, #tpu.memory_space<hbm>> -> memref<40x128xi32, #tpu.memory_space<hbm>>
          %dma_wait3A_49 = arith.constant 0 : i32
          %dma_wait3A_50 = arith.constant 0 : i32
          %dma_wait3A_51 = tpu.memref_slice %arg3[%add3A_19, %dma_wait3A_49, %dma_wait3A_50] : memref<64x40x128xi32, #tpu.memory_space<hbm>> -> memref<1x40x128xi32, #tpu.memory_space<hbm>>
          %dma_wait3A_52 = tpu.memref_squeeze %dma_wait3A_51 : memref<1x40x128xi32, #tpu.memory_space<hbm>> -> memref<40x128xi32, #tpu.memory_space<hbm>>
          tpu.wait_dma2 semaphore(%run_scoped3A : memref<!tpu.dma_semaphore, #tpu.memory_space<semaphore_mem>>) src(%dma_wait3A_52 : memref<40x128xi32, #tpu.memory_space<hbm>>) dst(%arg7 : memref<40x128xi32, #tpu.memory_space<vmem>>)
          tpu.yield
        }) : () -> ()
        "tpu.region"() ({
          %run_scoped3A = tpu.sem_alloc : memref<!tpu.dma_semaphore, #tpu.memory_space<semaphore_mem>>
          %dma_start3A_37 = arith.constant 0 : i32
          %dma_start3A_38 = arith.constant 0 : i32
          %dma_start3A_39 = tpu.memref_slice %arg4[%add3A_19, %dma_start3A_37, %dma_start3A_38] : memref<64x40x128xi32, #tpu.memory_space<hbm>> -> memref<1x40x128xi32, #tpu.memory_space<hbm>>
          %dma_start3A_40 = tpu.memref_squeeze %dma_start3A_39 : memref<1x40x128xi32, #tpu.memory_space<hbm>> -> memref<40x128xi32, #tpu.memory_space<hbm>>
          %dma_start3A_41 = arith.constant 0 : i32
          %dma_start3A_42 = arith.constant 0 : i32
          %dma_start3A_43 = tpu.memref_slice %arg4[%add3A_19, %dma_start3A_41, %dma_start3A_42] : memref<64x40x128xi32, #tpu.memory_space<hbm>> -> memref<1x40x128xi32, #tpu.memory_space<hbm>>
          %dma_start3A_44 = tpu.memref_squeeze %dma_start3A_43 : memref<1x40x128xi32, #tpu.memory_space<hbm>> -> memref<40x128xi32, #tpu.memory_space<hbm>>
          tpu.enqueue_dma source(%dma_start3A_44 : memref<40x128xi32, #tpu.memory_space<hbm>>) target(%arg8 : memref<40x128xi32, #tpu.memory_space<vmem>>) target_semaphore(%run_scoped3A : memref<!tpu.dma_semaphore, #tpu.memory_space<semaphore_mem>>)
          %dma_wait3A_45 = arith.constant 0 : i32
          %dma_wait3A_46 = arith.constant 0 : i32
          %dma_wait3A_47 = tpu.memref_slice %arg4[%add3A_19, %dma_wait3A_45, %dma_wait3A_46] : memref<64x40x128xi32, #tpu.memory_space<hbm>> -> memref<1x40x128xi32, #tpu.memory_space<hbm>>
          %dma_wait3A_48 = tpu.memref_squeeze %dma_wait3A_47 : memref<1x40x128xi32, #tpu.memory_space<hbm>> -> memref<40x128xi32, #tpu.memory_space<hbm>>
          %dma_wait3A_49 = arith.constant 0 : i32
          %dma_wait3A_50 = arith.constant 0 : i32
          %dma_wait3A_51 = tpu.memref_slice %arg4[%add3A_19, %dma_wait3A_49, %dma_wait3A_50] : memref<64x40x128xi32, #tpu.memory_space<hbm>> -> memref<1x40x128xi32, #tpu.memory_space<hbm>>
          %dma_wait3A_52 = tpu.memref_squeeze %dma_wait3A_51 : memref<1x40x128xi32, #tpu.memory_space<hbm>> -> memref<40x128xi32, #tpu.memory_space<hbm>>
          tpu.wait_dma2 semaphore(%run_scoped3A : memref<!tpu.dma_semaphore, #tpu.memory_space<semaphore_mem>>) src(%dma_wait3A_52 : memref<40x128xi32, #tpu.memory_space<hbm>>) dst(%arg8 : memref<40x128xi32, #tpu.memory_space<vmem>>)
          tpu.yield
        }) : () -> ()
        %dma_start3A = arith.constant 0 : i32
        %dma_start3A_20 = arith.constant 0 : i32
        %dma_start3A_21 = tpu.memref_slice %arg7[%dma_start3A, %dma_start3A_20] : memref<40x128xi32, #tpu.memory_space<vmem>> -> memref<1x128xi32, #tpu.memory_space<vmem>>
        %dma_start3A_22 = tpu.memref_squeeze %dma_start3A_21 : memref<1x128xi32, #tpu.memory_space<vmem>> -> memref<128xi32, #tpu.memory_space<vmem>>
        %dma_start3A_23 = arith.constant 0 : i32
        %dma_start3A_24 = arith.constant 0 : i32
        %dma_start3A_25 = tpu.memref_slice %arg2[%dma_start3A_23, %dma_start3A_24] : memref<10240x128xf32, #tpu.memory_space<hbm>> -> memref<10240x128xf32, #tpu.memory_space<hbm>>
        tpu.enqueue_indirect_dma source(%dma_start3A_25 : memref<10240x128xf32, #tpu.memory_space<hbm>>) target(%arg9 : memref<128x128xf32, #tpu.memory_space<vmem>>) offsets(%dma_start3A_22 : memref<128xi32, #tpu.memory_space<vmem>>) semaphore(%arg12 : memref<!tpu.dma_semaphore, #tpu.memory_space<semaphore_mem>>)
        %dma_wait3A = arith.constant 0 : i32
        %dma_wait3A_26 = arith.constant 0 : i32
        %dma_wait3A_27 = tpu.memref_slice %arg7[%dma_wait3A, %dma_wait3A_26] : memref<40x128xi32, #tpu.memory_space<vmem>> -> memref<1x128xi32, #tpu.memory_space<vmem>>
        %dma_wait3A_28 = tpu.memref_squeeze %dma_wait3A_27 : memref<1x128xi32, #tpu.memory_space<vmem>> -> memref<128xi32, #tpu.memory_space<vmem>>
        %dma_wait3A_29 = arith.constant 0 : i32
        %dma_wait3A_30 = arith.constant 0 : i32
        %dma_wait3A_31 = tpu.memref_slice %arg2[%dma_wait3A_29, %dma_wait3A_30] : memref<10240x128xf32, #tpu.memory_space<hbm>> -> memref<10240x128xf32, #tpu.memory_space<hbm>>
        tpu.wait_indirect_dma semaphore(%arg12 : memref<!tpu.dma_semaphore, #tpu.memory_space<semaphore_mem>>) src(%dma_wait3A_31 : memref<10240x128xf32, #tpu.memory_space<hbm>>) dst(%arg9 : memref<128x128xf32, #tpu.memory_space<vmem>>)
        %scan3A_32 = arith.constant 0 : i32
        %scan3A_33 = arith.constant 20 : i32
        %scan3A_34 = arith.addi %scan3A_32, %scan3A_33 : i32
        %scan3A_35 = arith.constant 1 : i32
        scf.for %scan3A_37 = %scan3A_32 to %scan3A_34 step %scan3A_35  : i32 {
          %mul3A_38 = arith.constant 2 : i32
          %mul3A_39 = arith.muli %scan3A_37, %mul3A_38 : i32
          %add3A_40 = arith.constant 0 : i32
          %add3A_41 = arith.addi %add3A_40, %mul3A_39 : i32
          %add3A_42 = arith.constant 1 : i32
          %add3A_43 = arith.addi %add3A_41, %add3A_42 : i32
          %dma_start3A_44 = arith.constant 0 : i32
          %dma_start3A_45 = tpu.memref_slice %arg7[%add3A_43, %dma_start3A_44] : memref<40x128xi32, #tpu.memory_space<vmem>> -> memref<1x128xi32, #tpu.memory_space<vmem>>
          %dma_start3A_46 = tpu.memref_squeeze %dma_start3A_45 : memref<1x128xi32, #tpu.memory_space<vmem>> -> memref<128xi32, #tpu.memory_space<vmem>>
          %dma_start3A_47 = arith.constant 0 : i32
          %dma_start3A_48 = arith.constant 0 : i32
          %dma_start3A_49 = tpu.memref_slice %arg2[%dma_start3A_47, %dma_start3A_48] : memref<10240x128xf32, #tpu.memory_space<hbm>> -> memref<10240x128xf32, #tpu.memory_space<hbm>>
          tpu.enqueue_indirect_dma source(%dma_start3A_49 : memref<10240x128xf32, #tpu.memory_space<hbm>>) target(%arg10 : memref<128x128xf32, #tpu.memory_space<vmem>>) offsets(%dma_start3A_46 : memref<128xi32, #tpu.memory_space<vmem>>) semaphore(%arg13 : memref<!tpu.dma_semaphore, #tpu.memory_space<semaphore_mem>>)
          "tpu.region"() ({
            %run_scoped3A = tpu.sem_alloc : memref<!tpu.dma_semaphore, #tpu.memory_space<semaphore_mem>>
            %dma_start3A_71 = arith.constant 0 : i32
            %dma_start3A_72 = tpu.memref_slice %arg8[%add3A_41, %dma_start3A_71] : memref<40x128xi32, #tpu.memory_space<vmem>> -> memref<1x128xi32, #tpu.memory_space<vmem>>
            %dma_start3A_73 = tpu.memref_squeeze %dma_start3A_72 : memref<1x128xi32, #tpu.memory_space<vmem>> -> memref<128xi32, #tpu.memory_space<vmem>>
            %dma_start3A_74 = arith.constant 0 : i32
            %dma_start3A_75 = arith.constant 0 : i32
            %dma_start3A_76 = tpu.memref_slice %arg11[%dma_start3A_74, %dma_start3A_75] : memref<10240x128xf32, #tpu.memory_space<vmem_shared>> -> memref<10240x128xf32, #tpu.memory_space<vmem_shared>>
            tpu.enqueue_indirect_dma source(%arg9 : memref<128x128xf32, #tpu.memory_space<vmem>>) target(%dma_start3A_76 : memref<10240x128xf32, #tpu.memory_space<vmem_shared>>) offsets(%dma_start3A_73 : memref<128xi32, #tpu.memory_space<vmem>>) semaphore(%run_scoped3A : memref<!tpu.dma_semaphore, #tpu.memory_space<semaphore_mem>>) {add = true}
            %dma_wait3A_77 = arith.constant 0 : i32
            %dma_wait3A_78 = tpu.memref_slice %arg8[%add3A_41, %dma_wait3A_77] : memref<40x128xi32, #tpu.memory_space<vmem>> -> memref<1x128xi32, #tpu.memory_space<vmem>>
            %dma_wait3A_79 = tpu.memref_squeeze %dma_wait3A_78 : memref<1x128xi32, #tpu.memory_space<vmem>> -> memref<128xi32, #tpu.memory_space<vmem>>
            %dma_wait3A_80 = arith.constant 0 : i32
            %dma_wait3A_81 = arith.constant 0 : i32
            %dma_wait3A_82 = tpu.memref_slice %arg11[%dma_wait3A_80, %dma_wait3A_81] : memref<10240x128xf32, #tpu.memory_space<vmem_shared>> -> memref<10240x128xf32, #tpu.memory_space<vmem_shared>>
            tpu.wait_indirect_dma semaphore(%run_scoped3A : memref<!tpu.dma_semaphore, #tpu.memory_space<semaphore_mem>>) src(%arg9 : memref<128x128xf32, #tpu.memory_space<vmem>>) dst(%dma_wait3A_82 : memref<10240x128xf32, #tpu.memory_space<vmem_shared>>)
            tpu.yield
          }) : () -> ()
          %dma_wait3A_50 = arith.constant 0 : i32
          %dma_wait3A_51 = tpu.memref_slice %arg7[%add3A_43, %dma_wait3A_50] : memref<40x128xi32, #tpu.memory_space<vmem>> -> memref<1x128xi32, #tpu.memory_space<vmem>>
          %dma_wait3A_52 = tpu.memref_squeeze %dma_wait3A_51 : memref<1x128xi32, #tpu.memory_space<vmem>> -> memref<128xi32, #tpu.memory_space<vmem>>
          %dma_wait3A_53 = arith.constant 0 : i32
          %dma_wait3A_54 = arith.constant 0 : i32
          %dma_wait3A_55 = tpu.memref_slice %arg2[%dma_wait3A_53, %dma_wait3A_54] : memref<10240x128xf32, #tpu.memory_space<hbm>> -> memref<10240x128xf32, #tpu.memory_space<hbm>>
          tpu.wait_indirect_dma semaphore(%arg13 : memref<!tpu.dma_semaphore, #tpu.memory_space<semaphore_mem>>) src(%dma_wait3A_55 : memref<10240x128xf32, #tpu.memory_space<hbm>>) dst(%arg10 : memref<128x128xf32, #tpu.memory_space<vmem>>)
          %add3A_56 = arith.constant 2 : i32
          %add3A_57 = arith.addi %add3A_41, %add3A_56 : i32
          %lt3A = arith.constant 40 : i32
          %lt3A_58 = arith.cmpi slt, %add3A_57, %lt3A : i32
          %convert_element_type3A_59 = arith.extui %lt3A_58 : i1 to i32
          %cond3A_60 = arith.constant 0 : i32
          %cond3A_61 = arith.cmpi ne, %convert_element_type3A_59, %cond3A_60 : i32
          scf.if %cond3A_61 {
            %add3A_71 = arith.constant 2 : i32
            %add3A_72 = arith.addi %add3A_41, %add3A_71 : i32
            %dma_start3A_73 = arith.constant 0 : i32
            %dma_start3A_74 = tpu.memref_slice %arg7[%add3A_72, %dma_start3A_73] : memref<40x128xi32, #tpu.memory_space<vmem>> -> memref<1x128xi32, #tpu.memory_space<vmem>>
            %dma_start3A_75 = tpu.memref_squeeze %dma_start3A_74 : memref<1x128xi32, #tpu.memory_space<vmem>> -> memref<128xi32, #tpu.memory_space<vmem>>
            %dma_start3A_76 = arith.constant 0 : i32
            %dma_start3A_77 = arith.constant 0 : i32
            %dma_start3A_78 = tpu.memref_slice %arg2[%dma_start3A_76, %dma_start3A_77] : memref<10240x128xf32, #tpu.memory_space<hbm>> -> memref<10240x128xf32, #tpu.memory_space<hbm>>
            tpu.enqueue_indirect_dma source(%dma_start3A_78 : memref<10240x128xf32, #tpu.memory_space<hbm>>) target(%arg9 : memref<128x128xf32, #tpu.memory_space<vmem>>) offsets(%dma_start3A_75 : memref<128xi32, #tpu.memory_space<vmem>>) semaphore(%arg12 : memref<!tpu.dma_semaphore, #tpu.memory_space<semaphore_mem>>)
          } else {
          }
          %add3A_62 = arith.constant 1 : i32
          %add3A_63 = arith.addi %add3A_41, %add3A_62 : i32
          "tpu.region"() ({
            %run_scoped3A = tpu.sem_alloc : memref<!tpu.dma_semaphore, #tpu.memory_space<semaphore_mem>>
            %dma_start3A_71 = arith.constant 0 : i32
            %dma_start3A_72 = tpu.memref_slice %arg8[%add3A_63, %dma_start3A_71] : memref<40x128xi32, #tpu.memory_space<vmem>> -> memref<1x128xi32, #tpu.memory_space<vmem>>
            %dma_start3A_73 = tpu.memref_squeeze %dma_start3A_72 : memref<1x128xi32, #tpu.memory_space<vmem>> -> memref<128xi32, #tpu.memory_space<vmem>>
            %dma_start3A_74 = arith.constant 0 : i32
            %dma_start3A_75 = arith.constant 0 : i32
            %dma_start3A_76 = tpu.memref_slice %arg11[%dma_start3A_74, %dma_start3A_75] : memref<10240x128xf32, #tpu.memory_space<vmem_shared>> -> memref<10240x128xf32, #tpu.memory_space<vmem_shared>>
            tpu.enqueue_indirect_dma source(%arg10 : memref<128x128xf32, #tpu.memory_space<vmem>>) target(%dma_start3A_76 : memref<10240x128xf32, #tpu.memory_space<vmem_shared>>) offsets(%dma_start3A_73 : memref<128xi32, #tpu.memory_space<vmem>>) semaphore(%run_scoped3A : memref<!tpu.dma_semaphore, #tpu.memory_space<semaphore_mem>>) {add = true}
            %dma_wait3A_77 = arith.constant 0 : i32
            %dma_wait3A_78 = tpu.memref_slice %arg8[%add3A_63, %dma_wait3A_77] : memref<40x128xi32, #tpu.memory_space<vmem>> -> memref<1x128xi32, #tpu.memory_space<vmem>>
            %dma_wait3A_79 = tpu.memref_squeeze %dma_wait3A_78 : memref<1x128xi32, #tpu.memory_space<vmem>> -> memref<128xi32, #tpu.memory_space<vmem>>
            %dma_wait3A_80 = arith.constant 0 : i32
            %dma_wait3A_81 = arith.constant 0 : i32
            %dma_wait3A_82 = tpu.memref_slice %arg11[%dma_wait3A_80, %dma_wait3A_81] : memref<10240x128xf32, #tpu.memory_space<vmem_shared>> -> memref<10240x128xf32, #tpu.memory_space<vmem_shared>>
            tpu.wait_indirect_dma semaphore(%run_scoped3A : memref<!tpu.dma_semaphore, #tpu.memory_space<semaphore_mem>>) src(%arg10 : memref<128x128xf32, #tpu.memory_space<vmem>>) dst(%dma_wait3A_82 : memref<10240x128xf32, #tpu.memory_space<vmem_shared>>)
            tpu.yield
          }) : () -> ()
          %add3A_64 = arith.constant 2 : i32
          %add3A_65 = arith.addi %add3A_41, %add3A_64 : i32
          %lt3A_66 = arith.constant 40 : i32
          %lt3A_67 = arith.cmpi slt, %add3A_65, %lt3A_66 : i32
          %convert_element_type3A_68 = arith.extui %lt3A_67 : i1 to i32
          %cond3A_69 = arith.constant 0 : i32
          %cond3A_70 = arith.cmpi ne, %convert_element_type3A_68, %cond3A_69 : i32
          scf.if %cond3A_70 {
            %add3A_71 = arith.constant 2 : i32
            %add3A_72 = arith.addi %add3A_41, %add3A_71 : i32
            %dma_wait3A_73 = arith.constant 0 : i32
            %dma_wait3A_74 = tpu.memref_slice %arg7[%add3A_72, %dma_wait3A_73] : memref<40x128xi32, #tpu.memory_space<vmem>> -> memref<1x128xi32, #tpu.memory_space<vmem>>
            %dma_wait3A_75 = tpu.memref_squeeze %dma_wait3A_74 : memref<1x128xi32, #tpu.memory_space<vmem>> -> memref<128xi32, #tpu.memory_space<vmem>>
            %dma_wait3A_76 = arith.constant 0 : i32
            %dma_wait3A_77 = arith.constant 0 : i32
            %dma_wait3A_78 = tpu.memref_slice %arg2[%dma_wait3A_76, %dma_wait3A_77] : memref<10240x128xf32, #tpu.memory_space<hbm>> -> memref<10240x128xf32, #tpu.memory_space<hbm>>
            tpu.wait_indirect_dma semaphore(%arg12 : memref<!tpu.dma_semaphore, #tpu.memory_space<semaphore_mem>>) src(%dma_wait3A_78 : memref<10240x128xf32, #tpu.memory_space<hbm>>) dst(%arg9 : memref<128x128xf32, #tpu.memory_space<vmem>>)
          } else {
          }
        }
        %scan3A_36 = arith.constant 20 : i32
      }
      %scan3A_12 = arith.constant 3 : i32
    } else {
    }
    %eq3A_3 = arith.constant 1 : i32
    %eq3A_4 = arith.cmpi eq, %arg0, %eq3A_3 : i32
    %convert_element_type3A_5 = arith.extui %eq3A_4 : i1 to i32
    %cond3A_6 = arith.constant 0 : i32
    %cond3A_7 = arith.cmpi ne, %convert_element_type3A_5, %cond3A_6 : i32
    scf.if %cond3A_7 {
      %scan3A = arith.constant 0 : i32
      %mul3A_9 = arith.constant 1 : i32
      %mul3A_10 = arith.muli %scan3A, %mul3A_9 : i32
      %add3A = arith.constant 0 : i32
      %add3A_11 = arith.addi %add3A, %mul3A_10 : i32
      %mul3A_12 = arith.constant 4 : i32
      %mul3A_13 = arith.muli %arg1, %mul3A_12 : i32
      %add3A_14 = arith.constant 3 : i32
      %add3A_15 = arith.addi %mul3A_13, %add3A_14 : i32
      %add3A_16 = arith.addi %add3A_15, %add3A_11 : i32
      "tpu.region"() ({
        %run_scoped3A = tpu.sem_alloc : memref<!tpu.dma_semaphore, #tpu.memory_space<semaphore_mem>>
        %dma_start3A_35 = arith.constant 0 : i32
        %dma_start3A_36 = arith.constant 0 : i32
        %dma_start3A_37 = tpu.memref_slice %arg3[%add3A_16, %dma_start3A_35, %dma_start3A_36] : memref<64x40x128xi32, #tpu.memory_space<hbm>> -> memref<1x40x128xi32, #tpu.memory_space<hbm>>
        %dma_start3A_38 = tpu.memref_squeeze %dma_start3A_37 : memref<1x40x128xi32, #tpu.memory_space<hbm>> -> memref<40x128xi32, #tpu.memory_space<hbm>>
        %dma_start3A_39 = arith.constant 0 : i32
        %dma_start3A_40 = arith.constant 0 : i32
        %dma_start3A_41 = tpu.memref_slice %arg3[%add3A_16, %dma_start3A_39, %dma_start3A_40] : memref<64x40x128xi32, #tpu.memory_space<hbm>> -> memref<1x40x128xi32, #tpu.memory_space<hbm>>
        %dma_start3A_42 = tpu.memref_squeeze %dma_start3A_41 : memref<1x40x128xi32, #tpu.memory_space<hbm>> -> memref<40x128xi32, #tpu.memory_space<hbm>>
        tpu.enqueue_dma source(%dma_start3A_42 : memref<40x128xi32, #tpu.memory_space<hbm>>) target(%arg7 : memref<40x128xi32, #tpu.memory_space<vmem>>) target_semaphore(%run_scoped3A : memref<!tpu.dma_semaphore, #tpu.memory_space<semaphore_mem>>)
        %dma_wait3A_43 = arith.constant 0 : i32
        %dma_wait3A_44 = arith.constant 0 : i32
        %dma_wait3A_45 = tpu.memref_slice %arg3[%add3A_16, %dma_wait3A_43, %dma_wait3A_44] : memref<64x40x128xi32, #tpu.memory_space<hbm>> -> memref<1x40x128xi32, #tpu.memory_space<hbm>>
        %dma_wait3A_46 = tpu.memref_squeeze %dma_wait3A_45 : memref<1x40x128xi32, #tpu.memory_space<hbm>> -> memref<40x128xi32, #tpu.memory_space<hbm>>
        %dma_wait3A_47 = arith.constant 0 : i32
        %dma_wait3A_48 = arith.constant 0 : i32
        %dma_wait3A_49 = tpu.memref_slice %arg3[%add3A_16, %dma_wait3A_47, %dma_wait3A_48] : memref<64x40x128xi32, #tpu.memory_space<hbm>> -> memref<1x40x128xi32, #tpu.memory_space<hbm>>
        %dma_wait3A_50 = tpu.memref_squeeze %dma_wait3A_49 : memref<1x40x128xi32, #tpu.memory_space<hbm>> -> memref<40x128xi32, #tpu.memory_space<hbm>>
        tpu.wait_dma2 semaphore(%run_scoped3A : memref<!tpu.dma_semaphore, #tpu.memory_space<semaphore_mem>>) src(%dma_wait3A_50 : memref<40x128xi32, #tpu.memory_space<hbm>>) dst(%arg7 : memref<40x128xi32, #tpu.memory_space<vmem>>)
        tpu.yield
      }) : () -> ()
      "tpu.region"() ({
        %run_scoped3A = tpu.sem_alloc : memref<!tpu.dma_semaphore, #tpu.memory_space<semaphore_mem>>
        %dma_start3A_35 = arith.constant 0 : i32
        %dma_start3A_36 = arith.constant 0 : i32
        %dma_start3A_37 = tpu.memref_slice %arg4[%add3A_16, %dma_start3A_35, %dma_start3A_36] : memref<64x40x128xi32, #tpu.memory_space<hbm>> -> memref<1x40x128xi32, #tpu.memory_space<hbm>>
        %dma_start3A_38 = tpu.memref_squeeze %dma_start3A_37 : memref<1x40x128xi32, #tpu.memory_space<hbm>> -> memref<40x128xi32, #tpu.memory_space<hbm>>
        %dma_start3A_39 = arith.constant 0 : i32
        %dma_start3A_40 = arith.constant 0 : i32
        %dma_start3A_41 = tpu.memref_slice %arg4[%add3A_16, %dma_start3A_39, %dma_start3A_40] : memref<64x40x128xi32, #tpu.memory_space<hbm>> -> memref<1x40x128xi32, #tpu.memory_space<hbm>>
        %dma_start3A_42 = tpu.memref_squeeze %dma_start3A_41 : memref<1x40x128xi32, #tpu.memory_space<hbm>> -> memref<40x128xi32, #tpu.memory_space<hbm>>
        tpu.enqueue_dma source(%dma_start3A_42 : memref<40x128xi32, #tpu.memory_space<hbm>>) target(%arg8 : memref<40x128xi32, #tpu.memory_space<vmem>>) target_semaphore(%run_scoped3A : memref<!tpu.dma_semaphore, #tpu.memory_space<semaphore_mem>>)
        %dma_wait3A_43 = arith.constant 0 : i32
        %dma_wait3A_44 = arith.constant 0 : i32
        %dma_wait3A_45 = tpu.memref_slice %arg4[%add3A_16, %dma_wait3A_43, %dma_wait3A_44] : memref<64x40x128xi32, #tpu.memory_space<hbm>> -> memref<1x40x128xi32, #tpu.memory_space<hbm>>
        %dma_wait3A_46 = tpu.memref_squeeze %dma_wait3A_45 : memref<1x40x128xi32, #tpu.memory_space<hbm>> -> memref<40x128xi32, #tpu.memory_space<hbm>>
        %dma_wait3A_47 = arith.constant 0 : i32
        %dma_wait3A_48 = arith.constant 0 : i32
        %dma_wait3A_49 = tpu.memref_slice %arg4[%add3A_16, %dma_wait3A_47, %dma_wait3A_48] : memref<64x40x128xi32, #tpu.memory_space<hbm>> -> memref<1x40x128xi32, #tpu.memory_space<hbm>>
        %dma_wait3A_50 = tpu.memref_squeeze %dma_wait3A_49 : memref<1x40x128xi32, #tpu.memory_space<hbm>> -> memref<40x128xi32, #tpu.memory_space<hbm>>
        tpu.wait_dma2 semaphore(%run_scoped3A : memref<!tpu.dma_semaphore, #tpu.memory_space<semaphore_mem>>) src(%dma_wait3A_50 : memref<40x128xi32, #tpu.memory_space<hbm>>) dst(%arg8 : memref<40x128xi32, #tpu.memory_space<vmem>>)
        tpu.yield
      }) : () -> ()
      %dma_start3A = arith.constant 0 : i32
      %dma_start3A_17 = arith.constant 0 : i32
      %dma_start3A_18 = tpu.memref_slice %arg7[%dma_start3A, %dma_start3A_17] : memref<40x128xi32, #tpu.memory_space<vmem>> -> memref<1x128xi32, #tpu.memory_space<vmem>>
      %dma_start3A_19 = tpu.memref_squeeze %dma_start3A_18 : memref<1x128xi32, #tpu.memory_space<vmem>> -> memref<128xi32, #tpu.memory_space<vmem>>
      %dma_start3A_20 = arith.constant 0 : i32
      %dma_start3A_21 = arith.constant 0 : i32
      %dma_start3A_22 = tpu.memref_slice %arg2[%dma_start3A_20, %dma_start3A_21] : memref<10240x128xf32, #tpu.memory_space<hbm>> -> memref<10240x128xf32, #tpu.memory_space<hbm>>
      tpu.enqueue_indirect_dma source(%dma_start3A_22 : memref<10240x128xf32, #tpu.memory_space<hbm>>) target(%arg9 : memref<128x128xf32, #tpu.memory_space<vmem>>) offsets(%dma_start3A_19 : memref<128xi32, #tpu.memory_space<vmem>>) semaphore(%arg12 : memref<!tpu.dma_semaphore, #tpu.memory_space<semaphore_mem>>)
      %dma_wait3A = arith.constant 0 : i32
      %dma_wait3A_23 = arith.constant 0 : i32
      %dma_wait3A_24 = tpu.memref_slice %arg7[%dma_wait3A, %dma_wait3A_23] : memref<40x128xi32, #tpu.memory_space<vmem>> -> memref<1x128xi32, #tpu.memory_space<vmem>>
      %dma_wait3A_25 = tpu.memref_squeeze %dma_wait3A_24 : memref<1x128xi32, #tpu.memory_space<vmem>> -> memref<128xi32, #tpu.memory_space<vmem>>
      %dma_wait3A_26 = arith.constant 0 : i32
      %dma_wait3A_27 = arith.constant 0 : i32
      %dma_wait3A_28 = tpu.memref_slice %arg2[%dma_wait3A_26, %dma_wait3A_27] : memref<10240x128xf32, #tpu.memory_space<hbm>> -> memref<10240x128xf32, #tpu.memory_space<hbm>>
      tpu.wait_indirect_dma semaphore(%arg12 : memref<!tpu.dma_semaphore, #tpu.memory_space<semaphore_mem>>) src(%dma_wait3A_28 : memref<10240x128xf32, #tpu.memory_space<hbm>>) dst(%arg9 : memref<128x128xf32, #tpu.memory_space<vmem>>)
      %scan3A_29 = arith.constant 0 : i32
      %scan3A_30 = arith.constant 20 : i32
      %scan3A_31 = arith.addi %scan3A_29, %scan3A_30 : i32
      %scan3A_32 = arith.constant 1 : i32
      scf.for %scan3A_35 = %scan3A_29 to %scan3A_31 step %scan3A_32  : i32 {
        %mul3A_36 = arith.constant 2 : i32
        %mul3A_37 = arith.muli %scan3A_35, %mul3A_36 : i32
        %add3A_38 = arith.constant 0 : i32
        %add3A_39 = arith.addi %add3A_38, %mul3A_37 : i32
        %add3A_40 = arith.constant 1 : i32
        %add3A_41 = arith.addi %add3A_39, %add3A_40 : i32
        %dma_start3A_42 = arith.constant 0 : i32
        %dma_start3A_43 = tpu.memref_slice %arg7[%add3A_41, %dma_start3A_42] : memref<40x128xi32, #tpu.memory_space<vmem>> -> memref<1x128xi32, #tpu.memory_space<vmem>>
        %dma_start3A_44 = tpu.memref_squeeze %dma_start3A_43 : memref<1x128xi32, #tpu.memory_space<vmem>> -> memref<128xi32, #tpu.memory_space<vmem>>
        %dma_start3A_45 = arith.constant 0 : i32
        %dma_start3A_46 = arith.constant 0 : i32
        %dma_start3A_47 = tpu.memref_slice %arg2[%dma_start3A_45, %dma_start3A_46] : memref<10240x128xf32, #tpu.memory_space<hbm>> -> memref<10240x128xf32, #tpu.memory_space<hbm>>
        tpu.enqueue_indirect_dma source(%dma_start3A_47 : memref<10240x128xf32, #tpu.memory_space<hbm>>) target(%arg10 : memref<128x128xf32, #tpu.memory_space<vmem>>) offsets(%dma_start3A_44 : memref<128xi32, #tpu.memory_space<vmem>>) semaphore(%arg13 : memref<!tpu.dma_semaphore, #tpu.memory_space<semaphore_mem>>)
        "tpu.region"() ({
          %run_scoped3A = tpu.sem_alloc : memref<!tpu.dma_semaphore, #tpu.memory_space<semaphore_mem>>
          %dma_start3A_69 = arith.constant 0 : i32
          %dma_start3A_70 = tpu.memref_slice %arg8[%add3A_39, %dma_start3A_69] : memref<40x128xi32, #tpu.memory_space<vmem>> -> memref<1x128xi32, #tpu.memory_space<vmem>>
          %dma_start3A_71 = tpu.memref_squeeze %dma_start3A_70 : memref<1x128xi32, #tpu.memory_space<vmem>> -> memref<128xi32, #tpu.memory_space<vmem>>
          %dma_start3A_72 = arith.constant 0 : i32
          %dma_start3A_73 = arith.constant 0 : i32
          %dma_start3A_74 = tpu.memref_slice %arg11[%dma_start3A_72, %dma_start3A_73] : memref<10240x128xf32, #tpu.memory_space<vmem_shared>> -> memref<10240x128xf32, #tpu.memory_space<vmem_shared>>
          tpu.enqueue_indirect_dma source(%arg9 : memref<128x128xf32, #tpu.memory_space<vmem>>) target(%dma_start3A_74 : memref<10240x128xf32, #tpu.memory_space<vmem_shared>>) offsets(%dma_start3A_71 : memref<128xi32, #tpu.memory_space<vmem>>) semaphore(%run_scoped3A : memref<!tpu.dma_semaphore, #tpu.memory_space<semaphore_mem>>) {add = true}
          %dma_wait3A_75 = arith.constant 0 : i32
          %dma_wait3A_76 = tpu.memref_slice %arg8[%add3A_39, %dma_wait3A_75] : memref<40x128xi32, #tpu.memory_space<vmem>> -> memref<1x128xi32, #tpu.memory_space<vmem>>
          %dma_wait3A_77 = tpu.memref_squeeze %dma_wait3A_76 : memref<1x128xi32, #tpu.memory_space<vmem>> -> memref<128xi32, #tpu.memory_space<vmem>>
          %dma_wait3A_78 = arith.constant 0 : i32
          %dma_wait3A_79 = arith.constant 0 : i32
          %dma_wait3A_80 = tpu.memref_slice %arg11[%dma_wait3A_78, %dma_wait3A_79] : memref<10240x128xf32, #tpu.memory_space<vmem_shared>> -> memref<10240x128xf32, #tpu.memory_space<vmem_shared>>
          tpu.wait_indirect_dma semaphore(%run_scoped3A : memref<!tpu.dma_semaphore, #tpu.memory_space<semaphore_mem>>) src(%arg9 : memref<128x128xf32, #tpu.memory_space<vmem>>) dst(%dma_wait3A_80 : memref<10240x128xf32, #tpu.memory_space<vmem_shared>>)
          tpu.yield
        }) : () -> ()
        %dma_wait3A_48 = arith.constant 0 : i32
        %dma_wait3A_49 = tpu.memref_slice %arg7[%add3A_41, %dma_wait3A_48] : memref<40x128xi32, #tpu.memory_space<vmem>> -> memref<1x128xi32, #tpu.memory_space<vmem>>
        %dma_wait3A_50 = tpu.memref_squeeze %dma_wait3A_49 : memref<1x128xi32, #tpu.memory_space<vmem>> -> memref<128xi32, #tpu.memory_space<vmem>>
        %dma_wait3A_51 = arith.constant 0 : i32
        %dma_wait3A_52 = arith.constant 0 : i32
        %dma_wait3A_53 = tpu.memref_slice %arg2[%dma_wait3A_51, %dma_wait3A_52] : memref<10240x128xf32, #tpu.memory_space<hbm>> -> memref<10240x128xf32, #tpu.memory_space<hbm>>
        tpu.wait_indirect_dma semaphore(%arg13 : memref<!tpu.dma_semaphore, #tpu.memory_space<semaphore_mem>>) src(%dma_wait3A_53 : memref<10240x128xf32, #tpu.memory_space<hbm>>) dst(%arg10 : memref<128x128xf32, #tpu.memory_space<vmem>>)
        %add3A_54 = arith.constant 2 : i32
        %add3A_55 = arith.addi %add3A_39, %add3A_54 : i32
        %lt3A = arith.constant 40 : i32
        %lt3A_56 = arith.cmpi slt, %add3A_55, %lt3A : i32
        %convert_element_type3A_57 = arith.extui %lt3A_56 : i1 to i32
        %cond3A_58 = arith.constant 0 : i32
        %cond3A_59 = arith.cmpi ne, %convert_element_type3A_57, %cond3A_58 : i32
        scf.if %cond3A_59 {
          %add3A_69 = arith.constant 2 : i32
          %add3A_70 = arith.addi %add3A_39, %add3A_69 : i32
          %dma_start3A_71 = arith.constant 0 : i32
          %dma_start3A_72 = tpu.memref_slice %arg7[%add3A_70, %dma_start3A_71] : memref<40x128xi32, #tpu.memory_space<vmem>> -> memref<1x128xi32, #tpu.memory_space<vmem>>
          %dma_start3A_73 = tpu.memref_squeeze %dma_start3A_72 : memref<1x128xi32, #tpu.memory_space<vmem>> -> memref<128xi32, #tpu.memory_space<vmem>>
          %dma_start3A_74 = arith.constant 0 : i32
          %dma_start3A_75 = arith.constant 0 : i32
          %dma_start3A_76 = tpu.memref_slice %arg2[%dma_start3A_74, %dma_start3A_75] : memref<10240x128xf32, #tpu.memory_space<hbm>> -> memref<10240x128xf32, #tpu.memory_space<hbm>>
          tpu.enqueue_indirect_dma source(%dma_start3A_76 : memref<10240x128xf32, #tpu.memory_space<hbm>>) target(%arg9 : memref<128x128xf32, #tpu.memory_space<vmem>>) offsets(%dma_start3A_73 : memref<128xi32, #tpu.memory_space<vmem>>) semaphore(%arg12 : memref<!tpu.dma_semaphore, #tpu.memory_space<semaphore_mem>>)
        } else {
        }
        %add3A_60 = arith.constant 1 : i32
        %add3A_61 = arith.addi %add3A_39, %add3A_60 : i32
        "tpu.region"() ({
          %run_scoped3A = tpu.sem_alloc : memref<!tpu.dma_semaphore, #tpu.memory_space<semaphore_mem>>
          %dma_start3A_69 = arith.constant 0 : i32
          %dma_start3A_70 = tpu.memref_slice %arg8[%add3A_61, %dma_start3A_69] : memref<40x128xi32, #tpu.memory_space<vmem>> -> memref<1x128xi32, #tpu.memory_space<vmem>>
          %dma_start3A_71 = tpu.memref_squeeze %dma_start3A_70 : memref<1x128xi32, #tpu.memory_space<vmem>> -> memref<128xi32, #tpu.memory_space<vmem>>
          %dma_start3A_72 = arith.constant 0 : i32
          %dma_start3A_73 = arith.constant 0 : i32
          %dma_start3A_74 = tpu.memref_slice %arg11[%dma_start3A_72, %dma_start3A_73] : memref<10240x128xf32, #tpu.memory_space<vmem_shared>> -> memref<10240x128xf32, #tpu.memory_space<vmem_shared>>
          tpu.enqueue_indirect_dma source(%arg10 : memref<128x128xf32, #tpu.memory_space<vmem>>) target(%dma_start3A_74 : memref<10240x128xf32, #tpu.memory_space<vmem_shared>>) offsets(%dma_start3A_71 : memref<128xi32, #tpu.memory_space<vmem>>) semaphore(%run_scoped3A : memref<!tpu.dma_semaphore, #tpu.memory_space<semaphore_mem>>) {add = true}
          %dma_wait3A_75 = arith.constant 0 : i32
          %dma_wait3A_76 = tpu.memref_slice %arg8[%add3A_61, %dma_wait3A_75] : memref<40x128xi32, #tpu.memory_space<vmem>> -> memref<1x128xi32, #tpu.memory_space<vmem>>
          %dma_wait3A_77 = tpu.memref_squeeze %dma_wait3A_76 : memref<1x128xi32, #tpu.memory_space<vmem>> -> memref<128xi32, #tpu.memory_space<vmem>>
          %dma_wait3A_78 = arith.constant 0 : i32
          %dma_wait3A_79 = arith.constant 0 : i32
          %dma_wait3A_80 = tpu.memref_slice %arg11[%dma_wait3A_78, %dma_wait3A_79] : memref<10240x128xf32, #tpu.memory_space<vmem_shared>> -> memref<10240x128xf32, #tpu.memory_space<vmem_shared>>
          tpu.wait_indirect_dma semaphore(%run_scoped3A : memref<!tpu.dma_semaphore, #tpu.memory_space<semaphore_mem>>) src(%arg10 : memref<128x128xf32, #tpu.memory_space<vmem>>) dst(%dma_wait3A_80 : memref<10240x128xf32, #tpu.memory_space<vmem_shared>>)
          tpu.yield
        }) : () -> ()
        %add3A_62 = arith.constant 2 : i32
        %add3A_63 = arith.addi %add3A_39, %add3A_62 : i32
        %lt3A_64 = arith.constant 40 : i32
        %lt3A_65 = arith.cmpi slt, %add3A_63, %lt3A_64 : i32
        %convert_element_type3A_66 = arith.extui %lt3A_65 : i1 to i32
        %cond3A_67 = arith.constant 0 : i32
        %cond3A_68 = arith.cmpi ne, %convert_element_type3A_66, %cond3A_67 : i32
        scf.if %cond3A_68 {
          %add3A_69 = arith.constant 2 : i32
          %add3A_70 = arith.addi %add3A_39, %add3A_69 : i32
          %dma_wait3A_71 = arith.constant 0 : i32
          %dma_wait3A_72 = tpu.memref_slice %arg7[%add3A_70, %dma_wait3A_71] : memref<40x128xi32, #tpu.memory_space<vmem>> -> memref<1x128xi32, #tpu.memory_space<vmem>>
          %dma_wait3A_73 = tpu.memref_squeeze %dma_wait3A_72 : memref<1x128xi32, #tpu.memory_space<vmem>> -> memref<128xi32, #tpu.memory_space<vmem>>
          %dma_wait3A_74 = arith.constant 0 : i32
          %dma_wait3A_75 = arith.constant 0 : i32
          %dma_wait3A_76 = tpu.memref_slice %arg2[%dma_wait3A_74, %dma_wait3A_75] : memref<10240x128xf32, #tpu.memory_space<hbm>> -> memref<10240x128xf32, #tpu.memory_space<hbm>>
          tpu.wait_indirect_dma semaphore(%arg12 : memref<!tpu.dma_semaphore, #tpu.memory_space<semaphore_mem>>) src(%dma_wait3A_76 : memref<10240x128xf32, #tpu.memory_space<hbm>>) dst(%arg9 : memref<128x128xf32, #tpu.memory_space<vmem>>)
        } else {
        }
      }
      %scan3A_33 = arith.constant 20 : i32
      %scan3A_34 = arith.constant 1 : i32
    } else {
    }
    %barrier3A_8 = arith.constant 0 : index
    tpu.barrier barrier_id(%barrier3A_8)
    "tpu.region"() ({
      %run_scoped3A = tpu.sem_alloc : memref<!tpu.dma_semaphore, #tpu.memory_space<semaphore_mem>>
      %dma_start3A = arith.constant 0 : i32
      %dma_start3A_9 = tpu.memref_slice %arg6[%arg0, %mul3A_0, %dma_start3A] : memref<2x10240x128xf32, #tpu.memory_space<hbm>> -> memref<1x640x128xf32, #tpu.memory_space<hbm>>
      %dma_start3A_10 = tpu.memref_squeeze %dma_start3A_9 : memref<1x640x128xf32, #tpu.memory_space<hbm>> -> memref<640x128xf32, #tpu.memory_space<hbm>>
      %dma_start3A_11 = arith.constant 0 : i32
      %dma_start3A_12 = tpu.memref_slice %arg11[%mul3A_0, %dma_start3A_11] : memref<10240x128xf32, #tpu.memory_space<vmem_shared>> -> memref<640x128xf32, #tpu.memory_space<vmem_shared>>
      tpu.enqueue_dma source(%dma_start3A_12 : memref<640x128xf32, #tpu.memory_space<vmem_shared>>) target(%dma_start3A_10 : memref<640x128xf32, #tpu.memory_space<hbm>>) target_semaphore(%run_scoped3A : memref<!tpu.dma_semaphore, #tpu.memory_space<semaphore_mem>>)
      %dma_wait3A = arith.constant 0 : i32
      %dma_wait3A_13 = tpu.memref_slice %arg6[%arg0, %mul3A_0, %dma_wait3A] : memref<2x10240x128xf32, #tpu.memory_space<hbm>> -> memref<1x640x128xf32, #tpu.memory_space<hbm>>
      %dma_wait3A_14 = tpu.memref_squeeze %dma_wait3A_13 : memref<1x640x128xf32, #tpu.memory_space<hbm>> -> memref<640x128xf32, #tpu.memory_space<hbm>>
      %dma_wait3A_15 = arith.constant 0 : i32
      %dma_wait3A_16 = tpu.memref_slice %arg11[%mul3A_0, %dma_wait3A_15] : memref<10240x128xf32, #tpu.memory_space<vmem_shared>> -> memref<640x128xf32, #tpu.memory_space<vmem_shared>>
      tpu.wait_dma2 semaphore(%run_scoped3A : memref<!tpu.dma_semaphore, #tpu.memory_space<semaphore_mem>>) src(%dma_wait3A_16 : memref<640x128xf32, #tpu.memory_space<vmem_shared>>) dst(%dma_wait3A_14 : memref<640x128xf32, #tpu.memory_space<hbm>>)
      tpu.yield
    }) : () -> ()
    return
  }
}

#map = affine_map<(d0, d1) -> (0, 0, 0)>
#map1 = affine_map<(d0, d1) -> (0)>
#map2 = affine_map<(d0, d1) -> (0, 0)>
module attributes {stable_mosaic.version = 14 : i64} {
  func.func @_deg_body(%arg0: i32, %arg1: i32, %arg2: memref<32x80x128xi32, #tpu.memory_space<hbm>>, %arg3: memref<10240xf32, #tpu.memory_space<hbm>>, %arg4: memref<2x10240xf32, #tpu.memory_space<hbm>>, %arg5: memref<80x128xi32, #tpu.memory_space<vmem>>, %arg6: memref<128xf32, #tpu.memory_space<vmem>>, %arg7: memref<10240xf32, #tpu.memory_space<vmem_shared>>, %arg8: memref<!tpu.dma_semaphore, #tpu.memory_space<semaphore_mem>>) attributes {dimension_semantics = [#tpu.dimension_semantics<core_parallel>, #tpu.dimension_semantics<subcore_parallel>], iteration_bounds = array<i64: 2, 16>, scalar_prefetch = 0 : i64, scratch_operands = 4 : i64, tpu.core_type = #tpu.core_type<sc_vector_subcore>, window_params = [{transform_indices = #map}, {transform_indices = #map1}, {transform_indices = #map2}]} {
    %mul3A = arith.constant 2 : i32
    %mul3A_0 = arith.muli %arg1, %mul3A : i32
    %add3A = arith.addi %mul3A_0, %arg0 : i32
    %mul3A_1 = arith.constant 640 : i32
    %mul3A_2 = arith.muli %arg1, %mul3A_1 : i32
    "tpu.region"() ({
      %run_scoped3A = tpu.sem_alloc : memref<!tpu.dma_semaphore, #tpu.memory_space<semaphore_mem>>
      %dma_start3A = tpu.memref_slice %arg7[%mul3A_2] : memref<10240xf32, #tpu.memory_space<vmem_shared>> -> memref<640xf32, #tpu.memory_space<vmem_shared>>
      %dma_start3A_54 = tpu.memref_slice %arg3[%mul3A_2] : memref<10240xf32, #tpu.memory_space<hbm>> -> memref<640xf32, #tpu.memory_space<hbm>>
      tpu.enqueue_dma source(%dma_start3A_54 : memref<640xf32, #tpu.memory_space<hbm>>) target(%dma_start3A : memref<640xf32, #tpu.memory_space<vmem_shared>>) target_semaphore(%run_scoped3A : memref<!tpu.dma_semaphore, #tpu.memory_space<semaphore_mem>>)
      %dma_wait3A = tpu.memref_slice %arg7[%mul3A_2] : memref<10240xf32, #tpu.memory_space<vmem_shared>> -> memref<640xf32, #tpu.memory_space<vmem_shared>>
      %dma_wait3A_55 = tpu.memref_slice %arg3[%mul3A_2] : memref<10240xf32, #tpu.memory_space<hbm>> -> memref<640xf32, #tpu.memory_space<hbm>>
      tpu.wait_dma2 semaphore(%run_scoped3A : memref<!tpu.dma_semaphore, #tpu.memory_space<semaphore_mem>>) src(%dma_wait3A_55 : memref<640xf32, #tpu.memory_space<hbm>>) dst(%dma_wait3A : memref<640xf32, #tpu.memory_space<vmem_shared>>)
      tpu.yield
    }) : () -> ()
    "tpu.region"() ({
      %run_scoped3A = tpu.sem_alloc : memref<!tpu.dma_semaphore, #tpu.memory_space<semaphore_mem>>
      %dma_start3A = arith.constant 0 : i32
      %dma_start3A_54 = arith.constant 0 : i32
      %dma_start3A_55 = tpu.memref_slice %arg2[%add3A, %dma_start3A, %dma_start3A_54] : memref<32x80x128xi32, #tpu.memory_space<hbm>> -> memref<1x80x128xi32, #tpu.memory_space<hbm>>
      %dma_start3A_56 = tpu.memref_squeeze %dma_start3A_55 : memref<1x80x128xi32, #tpu.memory_space<hbm>> -> memref<80x128xi32, #tpu.memory_space<hbm>>
      %dma_start3A_57 = arith.constant 0 : i32
      %dma_start3A_58 = arith.constant 0 : i32
      %dma_start3A_59 = tpu.memref_slice %arg2[%add3A, %dma_start3A_57, %dma_start3A_58] : memref<32x80x128xi32, #tpu.memory_space<hbm>> -> memref<1x80x128xi32, #tpu.memory_space<hbm>>
      %dma_start3A_60 = tpu.memref_squeeze %dma_start3A_59 : memref<1x80x128xi32, #tpu.memory_space<hbm>> -> memref<80x128xi32, #tpu.memory_space<hbm>>
      tpu.enqueue_dma source(%dma_start3A_60 : memref<80x128xi32, #tpu.memory_space<hbm>>) target(%arg5 : memref<80x128xi32, #tpu.memory_space<vmem>>) target_semaphore(%run_scoped3A : memref<!tpu.dma_semaphore, #tpu.memory_space<semaphore_mem>>)
      %dma_wait3A = arith.constant 0 : i32
      %dma_wait3A_61 = arith.constant 0 : i32
      %dma_wait3A_62 = tpu.memref_slice %arg2[%add3A, %dma_wait3A, %dma_wait3A_61] : memref<32x80x128xi32, #tpu.memory_space<hbm>> -> memref<1x80x128xi32, #tpu.memory_space<hbm>>
      %dma_wait3A_63 = tpu.memref_squeeze %dma_wait3A_62 : memref<1x80x128xi32, #tpu.memory_space<hbm>> -> memref<80x128xi32, #tpu.memory_space<hbm>>
      %dma_wait3A_64 = arith.constant 0 : i32
      %dma_wait3A_65 = arith.constant 0 : i32
      %dma_wait3A_66 = tpu.memref_slice %arg2[%add3A, %dma_wait3A_64, %dma_wait3A_65] : memref<32x80x128xi32, #tpu.memory_space<hbm>> -> memref<1x80x128xi32, #tpu.memory_space<hbm>>
      %dma_wait3A_67 = tpu.memref_squeeze %dma_wait3A_66 : memref<1x80x128xi32, #tpu.memory_space<hbm>> -> memref<80x128xi32, #tpu.memory_space<hbm>>
      tpu.wait_dma2 semaphore(%run_scoped3A : memref<!tpu.dma_semaphore, #tpu.memory_space<semaphore_mem>>) src(%dma_wait3A_67 : memref<80x128xi32, #tpu.memory_space<hbm>>) dst(%arg5 : memref<80x128xi32, #tpu.memory_space<vmem>>)
      tpu.yield
    }) : () -> ()
    %broadcast_in_dim3A = arith.constant 1.000000e+00 : f32
    %broadcast_in_dim3A_3 = vector.broadcast %broadcast_in_dim3A : f32 to vector<16xf32>
    %swap3A = arith.constant 0 : index
    %swap3A_4 = tpu.vector_load %arg6[%swap3A] {strides = array<i32>} : memref<128xf32, #tpu.memory_space<vmem>>, vector<16xf32>,
    %swap3A_5 = vector.shape_cast %swap3A_4 : vector<16xf32> to vector<16xf32>
    %swap3A_6 = vector.shape_cast %broadcast_in_dim3A_3 : vector<16xf32> to vector<16xf32>
    tpu.vector_store %arg6[%swap3A], %swap3A_6 {strides = array<i32>} : memref<128xf32, #tpu.memory_space<vmem>>, vector<16xf32>,
    %broadcast_in_dim3A_7 = arith.constant 1.000000e+00 : f32
    %broadcast_in_dim3A_8 = vector.broadcast %broadcast_in_dim3A_7 : f32 to vector<16xf32>
    %swap3A_9 = arith.constant 16 : index
    %swap3A_10 = tpu.vector_load %arg6[%swap3A_9] {strides = array<i32>} : memref<128xf32, #tpu.memory_space<vmem>>, vector<16xf32>,
    %swap3A_11 = vector.shape_cast %swap3A_10 : vector<16xf32> to vector<16xf32>
    %swap3A_12 = vector.shape_cast %broadcast_in_dim3A_8 : vector<16xf32> to vector<16xf32>
    tpu.vector_store %arg6[%swap3A_9], %swap3A_12 {strides = array<i32>} : memref<128xf32, #tpu.memory_space<vmem>>, vector<16xf32>,
    %broadcast_in_dim3A_13 = arith.constant 1.000000e+00 : f32
    %broadcast_in_dim3A_14 = vector.broadcast %broadcast_in_dim3A_13 : f32 to vector<16xf32>
    %swap3A_15 = arith.constant 32 : index
    %swap3A_16 = tpu.vector_load %arg6[%swap3A_15] {strides = array<i32>} : memref<128xf32, #tpu.memory_space<vmem>>, vector<16xf32>,
    %swap3A_17 = vector.shape_cast %swap3A_16 : vector<16xf32> to vector<16xf32>
    %swap3A_18 = vector.shape_cast %broadcast_in_dim3A_14 : vector<16xf32> to vector<16xf32>
    tpu.vector_store %arg6[%swap3A_15], %swap3A_18 {strides = array<i32>} : memref<128xf32, #tpu.memory_space<vmem>>, vector<16xf32>,
    %broadcast_in_dim3A_19 = arith.constant 1.000000e+00 : f32
    %broadcast_in_dim3A_20 = vector.broadcast %broadcast_in_dim3A_19 : f32 to vector<16xf32>
    %swap3A_21 = arith.constant 48 : index
    %swap3A_22 = tpu.vector_load %arg6[%swap3A_21] {strides = array<i32>} : memref<128xf32, #tpu.memory_space<vmem>>, vector<16xf32>,
    %swap3A_23 = vector.shape_cast %swap3A_22 : vector<16xf32> to vector<16xf32>
    %swap3A_24 = vector.shape_cast %broadcast_in_dim3A_20 : vector<16xf32> to vector<16xf32>
    tpu.vector_store %arg6[%swap3A_21], %swap3A_24 {strides = array<i32>} : memref<128xf32, #tpu.memory_space<vmem>>, vector<16xf32>,
    %broadcast_in_dim3A_25 = arith.constant 1.000000e+00 : f32
    %broadcast_in_dim3A_26 = vector.broadcast %broadcast_in_dim3A_25 : f32 to vector<16xf32>
    %swap3A_27 = arith.constant 64 : index
    %swap3A_28 = tpu.vector_load %arg6[%swap3A_27] {strides = array<i32>} : memref<128xf32, #tpu.memory_space<vmem>>, vector<16xf32>,
    %swap3A_29 = vector.shape_cast %swap3A_28 : vector<16xf32> to vector<16xf32>
    %swap3A_30 = vector.shape_cast %broadcast_in_dim3A_26 : vector<16xf32> to vector<16xf32>
    tpu.vector_store %arg6[%swap3A_27], %swap3A_30 {strides = array<i32>} : memref<128xf32, #tpu.memory_space<vmem>>, vector<16xf32>,
    %broadcast_in_dim3A_31 = arith.constant 1.000000e+00 : f32
    %broadcast_in_dim3A_32 = vector.broadcast %broadcast_in_dim3A_31 : f32 to vector<16xf32>
    %swap3A_33 = arith.constant 80 : index
    %swap3A_34 = tpu.vector_load %arg6[%swap3A_33] {strides = array<i32>} : memref<128xf32, #tpu.memory_space<vmem>>, vector<16xf32>,
    %swap3A_35 = vector.shape_cast %swap3A_34 : vector<16xf32> to vector<16xf32>
    %swap3A_36 = vector.shape_cast %broadcast_in_dim3A_32 : vector<16xf32> to vector<16xf32>
    tpu.vector_store %arg6[%swap3A_33], %swap3A_36 {strides = array<i32>} : memref<128xf32, #tpu.memory_space<vmem>>, vector<16xf32>,
    %broadcast_in_dim3A_37 = arith.constant 1.000000e+00 : f32
    %broadcast_in_dim3A_38 = vector.broadcast %broadcast_in_dim3A_37 : f32 to vector<16xf32>
    %swap3A_39 = arith.constant 96 : index
    %swap3A_40 = tpu.vector_load %arg6[%swap3A_39] {strides = array<i32>} : memref<128xf32, #tpu.memory_space<vmem>>, vector<16xf32>,
    %swap3A_41 = vector.shape_cast %swap3A_40 : vector<16xf32> to vector<16xf32>
    %swap3A_42 = vector.shape_cast %broadcast_in_dim3A_38 : vector<16xf32> to vector<16xf32>
    tpu.vector_store %arg6[%swap3A_39], %swap3A_42 {strides = array<i32>} : memref<128xf32, #tpu.memory_space<vmem>>, vector<16xf32>,
    %broadcast_in_dim3A_43 = arith.constant 1.000000e+00 : f32
    %broadcast_in_dim3A_44 = vector.broadcast %broadcast_in_dim3A_43 : f32 to vector<16xf32>
    %swap3A_45 = arith.constant 112 : index
    %swap3A_46 = tpu.vector_load %arg6[%swap3A_45] {strides = array<i32>} : memref<128xf32, #tpu.memory_space<vmem>>, vector<16xf32>,
    %swap3A_47 = vector.shape_cast %swap3A_46 : vector<16xf32> to vector<16xf32>
    %swap3A_48 = vector.shape_cast %broadcast_in_dim3A_44 : vector<16xf32> to vector<16xf32>
    tpu.vector_store %arg6[%swap3A_45], %swap3A_48 {strides = array<i32>} : memref<128xf32, #tpu.memory_space<vmem>>, vector<16xf32>,
    %barrier3A = arith.constant 0 : index
    tpu.barrier barrier_id(%barrier3A)
    %scan3A = arith.constant 0 : i32
    %scan3A_49 = arith.constant 80 : i32
    %scan3A_50 = arith.addi %scan3A, %scan3A_49 : i32
    %scan3A_51 = arith.constant 1 : i32
    scf.for %scan3A_54 = %scan3A to %scan3A_50 step %scan3A_51  : i32 {
      %mul3A_55 = arith.constant 1 : i32
      %mul3A_56 = arith.muli %scan3A_54, %mul3A_55 : i32
      %add3A_57 = arith.constant 0 : i32
      %add3A_58 = arith.addi %add3A_57, %mul3A_56 : i32
      "tpu.region"() ({
        %run_scoped3A = tpu.sem_alloc : memref<!tpu.dma_semaphore, #tpu.memory_space<semaphore_mem>>
        %dma_start3A = arith.constant 0 : i32
        %dma_start3A_59 = tpu.memref_slice %arg5[%add3A_58, %dma_start3A] : memref<80x128xi32, #tpu.memory_space<vmem>> -> memref<1x128xi32, #tpu.memory_space<vmem>>
        %dma_start3A_60 = tpu.memref_squeeze %dma_start3A_59 : memref<1x128xi32, #tpu.memory_space<vmem>> -> memref<128xi32, #tpu.memory_space<vmem>>
        %dma_start3A_61 = arith.constant 0 : i32
        %dma_start3A_62 = tpu.memref_slice %arg7[%dma_start3A_61] : memref<10240xf32, #tpu.memory_space<vmem_shared>> -> memref<10240xf32, #tpu.memory_space<vmem_shared>>
        tpu.enqueue_indirect_dma source(%arg6 : memref<128xf32, #tpu.memory_space<vmem>>) target(%dma_start3A_62 : memref<10240xf32, #tpu.memory_space<vmem_shared>>) offsets(%dma_start3A_60 : memref<128xi32, #tpu.memory_space<vmem>>) semaphore(%run_scoped3A : memref<!tpu.dma_semaphore, #tpu.memory_space<semaphore_mem>>) {add = true}
        %dma_wait3A = arith.constant 0 : i32
        %dma_wait3A_63 = tpu.memref_slice %arg5[%add3A_58, %dma_wait3A] : memref<80x128xi32, #tpu.memory_space<vmem>> -> memref<1x128xi32, #tpu.memory_space<vmem>>
        %dma_wait3A_64 = tpu.memref_squeeze %dma_wait3A_63 : memref<1x128xi32, #tpu.memory_space<vmem>> -> memref<128xi32, #tpu.memory_space<vmem>>
        %dma_wait3A_65 = arith.constant 0 : i32
        %dma_wait3A_66 = tpu.memref_slice %arg7[%dma_wait3A_65] : memref<10240xf32, #tpu.memory_space<vmem_shared>> -> memref<10240xf32, #tpu.memory_space<vmem_shared>>
        tpu.wait_indirect_dma semaphore(%run_scoped3A : memref<!tpu.dma_semaphore, #tpu.memory_space<semaphore_mem>>) src(%arg6 : memref<128xf32, #tpu.memory_space<vmem>>) dst(%dma_wait3A_66 : memref<10240xf32, #tpu.memory_space<vmem_shared>>)
        tpu.yield
      }) : () -> ()
    }
    %scan3A_52 = arith.constant 80 : i32
    %barrier3A_53 = arith.constant 0 : index
    tpu.barrier barrier_id(%barrier3A_53)
    "tpu.region"() ({
      %run_scoped3A = tpu.sem_alloc : memref<!tpu.dma_semaphore, #tpu.memory_space<semaphore_mem>>
      %dma_start3A = tpu.memref_slice %arg4[%arg0, %mul3A_2] : memref<2x10240xf32, #tpu.memory_space<hbm>> -> memref<1x640xf32, #tpu.memory_space<hbm>>
      %dma_start3A_54 = tpu.memref_squeeze %dma_start3A : memref<1x640xf32, #tpu.memory_space<hbm>> -> memref<640xf32, #tpu.memory_space<hbm>>
      %dma_start3A_55 = tpu.memref_slice %arg7[%mul3A_2] : memref<10240xf32, #tpu.memory_space<vmem_shared>> -> memref<640xf32, #tpu.memory_space<vmem_shared>>
      tpu.enqueue_dma source(%dma_start3A_55 : memref<640xf32, #tpu.memory_space<vmem_shared>>) target(%dma_start3A_54 : memref<640xf32, #tpu.memory_space<hbm>>) target_semaphore(%run_scoped3A : memref<!tpu.dma_semaphore, #tpu.memory_space<semaphore_mem>>)
      %dma_wait3A = tpu.memref_slice %arg4[%arg0, %mul3A_2] : memref<2x10240xf32, #tpu.memory_space<hbm>> -> memref<1x640xf32, #tpu.memory_space<hbm>>
      %dma_wait3A_56 = tpu.memref_squeeze %dma_wait3A : memref<1x640xf32, #tpu.memory_space<hbm>> -> memref<640xf32, #tpu.memory_space<hbm>>
      %dma_wait3A_57 = tpu.memref_slice %arg7[%mul3A_2] : memref<10240xf32, #tpu.memory_space<vmem_shared>> -> memref<640xf32, #tpu.memory_space<vmem_shared>>
      tpu.wait_dma2 semaphore(%run_scoped3A : memref<!tpu.dma_semaphore, #tpu.memory_space<semaphore_mem>>) src(%dma_wait3A_57 : memref<640xf32, #tpu.memory_space<vmem_shared>>) dst(%dma_wait3A_56 : memref<640xf32, #tpu.memory_space<hbm>>)
      tpu.yield
    }) : () -> ()
    return
  }
}

#map = affine_map<(d0, d1) -> (0, 0)>
#map1 = affine_map<(d0, d1) -> (0, 0, 0)>
module attributes {stable_mosaic.version = 14 : i64} {
  func.func @_agg_body(%arg0: i32, %arg1: i32, %arg2: memref<10240x128xf32, #tpu.memory_space<hbm>>, %arg3: memref<64x40x128xi32, #tpu.memory_space<hbm>>, %arg4: memref<64x40x128xi32, #tpu.memory_space<hbm>>, %arg5: memref<10240x128xf32, #tpu.memory_space<hbm>>, %arg6: memref<2x10240x128xf32, #tpu.memory_space<hbm>>, %arg7: memref<40x128xi32, #tpu.memory_space<vmem>>, %arg8: memref<40x128xi32, #tpu.memory_space<vmem>>, %arg9: memref<128x128xf32, #tpu.memory_space<vmem>>, %arg10: memref<128x128xf32, #tpu.memory_space<vmem>>, %arg11: memref<10240x128xf32, #tpu.memory_space<vmem_shared>>, %arg12: memref<!tpu.dma_semaphore, #tpu.memory_space<semaphore_mem>>, %arg13: memref<!tpu.dma_semaphore, #tpu.memory_space<semaphore_mem>>) attributes {dimension_semantics = [#tpu.dimension_semantics<core_parallel>, #tpu.dimension_semantics<subcore_parallel>], iteration_bounds = array<i64: 2, 16>, scalar_prefetch = 0 : i64, scratch_operands = 7 : i64, tpu.core_type = #tpu.core_type<sc_vector_subcore>, window_params = [{transform_indices = #map}, {transform_indices = #map1}, {transform_indices = #map1}, {transform_indices = #map}, {transform_indices = #map1}]} {
    %mul3A = arith.constant 640 : i32
    %mul3A_0 = arith.muli %arg1, %mul3A : i32
    "tpu.region"() ({
      %run_scoped3A = tpu.sem_alloc : memref<!tpu.dma_semaphore, #tpu.memory_space<semaphore_mem>>
      %dma_start3A = arith.constant 0 : i32
      %dma_start3A_9 = tpu.memref_slice %arg11[%mul3A_0, %dma_start3A] : memref<10240x128xf32, #tpu.memory_space<vmem_shared>> -> memref<640x128xf32, #tpu.memory_space<vmem_shared>>
      %dma_start3A_10 = arith.constant 0 : i32
      %dma_start3A_11 = tpu.memref_slice %arg5[%mul3A_0, %dma_start3A_10] : memref<10240x128xf32, #tpu.memory_space<hbm>> -> memref<640x128xf32, #tpu.memory_space<hbm>>
      tpu.enqueue_dma source(%dma_start3A_11 : memref<640x128xf32, #tpu.memory_space<hbm>>) target(%dma_start3A_9 : memref<640x128xf32, #tpu.memory_space<vmem_shared>>) target_semaphore(%run_scoped3A : memref<!tpu.dma_semaphore, #tpu.memory_space<semaphore_mem>>)
      %dma_wait3A = arith.constant 0 : i32
      %dma_wait3A_12 = tpu.memref_slice %arg11[%mul3A_0, %dma_wait3A] : memref<10240x128xf32, #tpu.memory_space<vmem_shared>> -> memref<640x128xf32, #tpu.memory_space<vmem_shared>>
      %dma_wait3A_13 = arith.constant 0 : i32
      %dma_wait3A_14 = tpu.memref_slice %arg5[%mul3A_0, %dma_wait3A_13] : memref<10240x128xf32, #tpu.memory_space<hbm>> -> memref<640x128xf32, #tpu.memory_space<hbm>>
      tpu.wait_dma2 semaphore(%run_scoped3A : memref<!tpu.dma_semaphore, #tpu.memory_space<semaphore_mem>>) src(%dma_wait3A_14 : memref<640x128xf32, #tpu.memory_space<hbm>>) dst(%dma_wait3A_12 : memref<640x128xf32, #tpu.memory_space<vmem_shared>>)
      tpu.yield
    }) : () -> ()
    %barrier3A = arith.constant 0 : index
    tpu.barrier barrier_id(%barrier3A)
    %eq3A = arith.constant 0 : i32
    %eq3A_1 = arith.cmpi eq, %arg0, %eq3A : i32
    %convert_element_type3A = arith.extui %eq3A_1 : i1 to i32
    %cond3A = arith.constant 0 : i32
    %cond3A_2 = arith.cmpi ne, %convert_element_type3A, %cond3A : i32
    scf.if %cond3A_2 {
      %scan3A = arith.constant 0 : i32
      %scan3A_9 = arith.constant 3 : i32
      %scan3A_10 = arith.addi %scan3A, %scan3A_9 : i32
      %scan3A_11 = arith.constant 1 : i32
      scf.for %scan3A_13 = %scan3A to %scan3A_10 step %scan3A_11  : i32 {
        %mul3A_14 = arith.constant 1 : i32
        %mul3A_15 = arith.muli %scan3A_13, %mul3A_14 : i32
        %add3A = arith.constant 0 : i32
        %add3A_16 = arith.addi %add3A, %mul3A_15 : i32
        %mul3A_17 = arith.constant 4 : i32
        %mul3A_18 = arith.muli %arg1, %mul3A_17 : i32
        %add3A_19 = arith.addi %mul3A_18, %add3A_16 : i32
        "tpu.region"() ({
          %run_scoped3A = tpu.sem_alloc : memref<!tpu.dma_semaphore, #tpu.memory_space<semaphore_mem>>
          %dma_start3A_37 = arith.constant 0 : i32
          %dma_start3A_38 = arith.constant 0 : i32
          %dma_start3A_39 = tpu.memref_slice %arg3[%add3A_19, %dma_start3A_37, %dma_start3A_38] : memref<64x40x128xi32, #tpu.memory_space<hbm>> -> memref<1x40x128xi32, #tpu.memory_space<hbm>>
          %dma_start3A_40 = tpu.memref_squeeze %dma_start3A_39 : memref<1x40x128xi32, #tpu.memory_space<hbm>> -> memref<40x128xi32, #tpu.memory_space<hbm>>
          %dma_start3A_41 = arith.constant 0 : i32
          %dma_start3A_42 = arith.constant 0 : i32
          %dma_start3A_43 = tpu.memref_slice %arg3[%add3A_19, %dma_start3A_41, %dma_start3A_42] : memref<64x40x128xi32, #tpu.memory_space<hbm>> -> memref<1x40x128xi32, #tpu.memory_space<hbm>>
          %dma_start3A_44 = tpu.memref_squeeze %dma_start3A_43 : memref<1x40x128xi32, #tpu.memory_space<hbm>> -> memref<40x128xi32, #tpu.memory_space<hbm>>
          tpu.enqueue_dma source(%dma_start3A_44 : memref<40x128xi32, #tpu.memory_space<hbm>>) target(%arg7 : memref<40x128xi32, #tpu.memory_space<vmem>>) target_semaphore(%run_scoped3A : memref<!tpu.dma_semaphore, #tpu.memory_space<semaphore_mem>>)
          %dma_wait3A_45 = arith.constant 0 : i32
          %dma_wait3A_46 = arith.constant 0 : i32
          %dma_wait3A_47 = tpu.memref_slice %arg3[%add3A_19, %dma_wait3A_45, %dma_wait3A_46] : memref<64x40x128xi32, #tpu.memory_space<hbm>> -> memref<1x40x128xi32, #tpu.memory_space<hbm>>
          %dma_wait3A_48 = tpu.memref_squeeze %dma_wait3A_47 : memref<1x40x128xi32, #tpu.memory_space<hbm>> -> memref<40x128xi32, #tpu.memory_space<hbm>>
          %dma_wait3A_49 = arith.constant 0 : i32
          %dma_wait3A_50 = arith.constant 0 : i32
          %dma_wait3A_51 = tpu.memref_slice %arg3[%add3A_19, %dma_wait3A_49, %dma_wait3A_50] : memref<64x40x128xi32, #tpu.memory_space<hbm>> -> memref<1x40x128xi32, #tpu.memory_space<hbm>>
          %dma_wait3A_52 = tpu.memref_squeeze %dma_wait3A_51 : memref<1x40x128xi32, #tpu.memory_space<hbm>> -> memref<40x128xi32, #tpu.memory_space<hbm>>
          tpu.wait_dma2 semaphore(%run_scoped3A : memref<!tpu.dma_semaphore, #tpu.memory_space<semaphore_mem>>) src(%dma_wait3A_52 : memref<40x128xi32, #tpu.memory_space<hbm>>) dst(%arg7 : memref<40x128xi32, #tpu.memory_space<vmem>>)
          tpu.yield
        }) : () -> ()
        "tpu.region"() ({
          %run_scoped3A = tpu.sem_alloc : memref<!tpu.dma_semaphore, #tpu.memory_space<semaphore_mem>>
          %dma_start3A_37 = arith.constant 0 : i32
          %dma_start3A_38 = arith.constant 0 : i32
          %dma_start3A_39 = tpu.memref_slice %arg4[%add3A_19, %dma_start3A_37, %dma_start3A_38] : memref<64x40x128xi32, #tpu.memory_space<hbm>> -> memref<1x40x128xi32, #tpu.memory_space<hbm>>
          %dma_start3A_40 = tpu.memref_squeeze %dma_start3A_39 : memref<1x40x128xi32, #tpu.memory_space<hbm>> -> memref<40x128xi32, #tpu.memory_space<hbm>>
          %dma_start3A_41 = arith.constant 0 : i32
          %dma_start3A_42 = arith.constant 0 : i32
          %dma_start3A_43 = tpu.memref_slice %arg4[%add3A_19, %dma_start3A_41, %dma_start3A_42] : memref<64x40x128xi32, #tpu.memory_space<hbm>> -> memref<1x40x128xi32, #tpu.memory_space<hbm>>
          %dma_start3A_44 = tpu.memref_squeeze %dma_start3A_43 : memref<1x40x128xi32, #tpu.memory_space<hbm>> -> memref<40x128xi32, #tpu.memory_space<hbm>>
          tpu.enqueue_dma source(%dma_start3A_44 : memref<40x128xi32, #tpu.memory_space<hbm>>) target(%arg8 : memref<40x128xi32, #tpu.memory_space<vmem>>) target_semaphore(%run_scoped3A : memref<!tpu.dma_semaphore, #tpu.memory_space<semaphore_mem>>)
          %dma_wait3A_45 = arith.constant 0 : i32
          %dma_wait3A_46 = arith.constant 0 : i32
          %dma_wait3A_47 = tpu.memref_slice %arg4[%add3A_19, %dma_wait3A_45, %dma_wait3A_46] : memref<64x40x128xi32, #tpu.memory_space<hbm>> -> memref<1x40x128xi32, #tpu.memory_space<hbm>>
          %dma_wait3A_48 = tpu.memref_squeeze %dma_wait3A_47 : memref<1x40x128xi32, #tpu.memory_space<hbm>> -> memref<40x128xi32, #tpu.memory_space<hbm>>
          %dma_wait3A_49 = arith.constant 0 : i32
          %dma_wait3A_50 = arith.constant 0 : i32
          %dma_wait3A_51 = tpu.memref_slice %arg4[%add3A_19, %dma_wait3A_49, %dma_wait3A_50] : memref<64x40x128xi32, #tpu.memory_space<hbm>> -> memref<1x40x128xi32, #tpu.memory_space<hbm>>
          %dma_wait3A_52 = tpu.memref_squeeze %dma_wait3A_51 : memref<1x40x128xi32, #tpu.memory_space<hbm>> -> memref<40x128xi32, #tpu.memory_space<hbm>>
          tpu.wait_dma2 semaphore(%run_scoped3A : memref<!tpu.dma_semaphore, #tpu.memory_space<semaphore_mem>>) src(%dma_wait3A_52 : memref<40x128xi32, #tpu.memory_space<hbm>>) dst(%arg8 : memref<40x128xi32, #tpu.memory_space<vmem>>)
          tpu.yield
        }) : () -> ()
        %dma_start3A = arith.constant 0 : i32
        %dma_start3A_20 = arith.constant 0 : i32
        %dma_start3A_21 = tpu.memref_slice %arg7[%dma_start3A, %dma_start3A_20] : memref<40x128xi32, #tpu.memory_space<vmem>> -> memref<1x128xi32, #tpu.memory_space<vmem>>
        %dma_start3A_22 = tpu.memref_squeeze %dma_start3A_21 : memref<1x128xi32, #tpu.memory_space<vmem>> -> memref<128xi32, #tpu.memory_space<vmem>>
        %dma_start3A_23 = arith.constant 0 : i32
        %dma_start3A_24 = arith.constant 0 : i32
        %dma_start3A_25 = tpu.memref_slice %arg2[%dma_start3A_23, %dma_start3A_24] : memref<10240x128xf32, #tpu.memory_space<hbm>> -> memref<10240x128xf32, #tpu.memory_space<hbm>>
        tpu.enqueue_indirect_dma source(%dma_start3A_25 : memref<10240x128xf32, #tpu.memory_space<hbm>>) target(%arg9 : memref<128x128xf32, #tpu.memory_space<vmem>>) offsets(%dma_start3A_22 : memref<128xi32, #tpu.memory_space<vmem>>) semaphore(%arg12 : memref<!tpu.dma_semaphore, #tpu.memory_space<semaphore_mem>>)
        %dma_wait3A = arith.constant 0 : i32
        %dma_wait3A_26 = arith.constant 0 : i32
        %dma_wait3A_27 = tpu.memref_slice %arg7[%dma_wait3A, %dma_wait3A_26] : memref<40x128xi32, #tpu.memory_space<vmem>> -> memref<1x128xi32, #tpu.memory_space<vmem>>
        %dma_wait3A_28 = tpu.memref_squeeze %dma_wait3A_27 : memref<1x128xi32, #tpu.memory_space<vmem>> -> memref<128xi32, #tpu.memory_space<vmem>>
        %dma_wait3A_29 = arith.constant 0 : i32
        %dma_wait3A_30 = arith.constant 0 : i32
        %dma_wait3A_31 = tpu.memref_slice %arg2[%dma_wait3A_29, %dma_wait3A_30] : memref<10240x128xf32, #tpu.memory_space<hbm>> -> memref<10240x128xf32, #tpu.memory_space<hbm>>
        tpu.wait_indirect_dma semaphore(%arg12 : memref<!tpu.dma_semaphore, #tpu.memory_space<semaphore_mem>>) src(%dma_wait3A_31 : memref<10240x128xf32, #tpu.memory_space<hbm>>) dst(%arg9 : memref<128x128xf32, #tpu.memory_space<vmem>>)
        %scan3A_32 = arith.constant 0 : i32
        %scan3A_33 = arith.constant 20 : i32
        %scan3A_34 = arith.addi %scan3A_32, %scan3A_33 : i32
        %scan3A_35 = arith.constant 1 : i32
        scf.for %scan3A_37 = %scan3A_32 to %scan3A_34 step %scan3A_35  : i32 {
          %mul3A_38 = arith.constant 2 : i32
          %mul3A_39 = arith.muli %scan3A_37, %mul3A_38 : i32
          %add3A_40 = arith.constant 0 : i32
          %add3A_41 = arith.addi %add3A_40, %mul3A_39 : i32
          %add3A_42 = arith.constant 1 : i32
          %add3A_43 = arith.addi %add3A_41, %add3A_42 : i32
          %dma_start3A_44 = arith.constant 0 : i32
          %dma_start3A_45 = tpu.memref_slice %arg7[%add3A_43, %dma_start3A_44] : memref<40x128xi32, #tpu.memory_space<vmem>> -> memref<1x128xi32, #tpu.memory_space<vmem>>
          %dma_start3A_46 = tpu.memref_squeeze %dma_start3A_45 : memref<1x128xi32, #tpu.memory_space<vmem>> -> memref<128xi32, #tpu.memory_space<vmem>>
          %dma_start3A_47 = arith.constant 0 : i32
          %dma_start3A_48 = arith.constant 0 : i32
          %dma_start3A_49 = tpu.memref_slice %arg2[%dma_start3A_47, %dma_start3A_48] : memref<10240x128xf32, #tpu.memory_space<hbm>> -> memref<10240x128xf32, #tpu.memory_space<hbm>>
          tpu.enqueue_indirect_dma source(%dma_start3A_49 : memref<10240x128xf32, #tpu.memory_space<hbm>>) target(%arg10 : memref<128x128xf32, #tpu.memory_space<vmem>>) offsets(%dma_start3A_46 : memref<128xi32, #tpu.memory_space<vmem>>) semaphore(%arg13 : memref<!tpu.dma_semaphore, #tpu.memory_space<semaphore_mem>>)
          "tpu.region"() ({
            %run_scoped3A = tpu.sem_alloc : memref<!tpu.dma_semaphore, #tpu.memory_space<semaphore_mem>>
            %dma_start3A_71 = arith.constant 0 : i32
            %dma_start3A_72 = tpu.memref_slice %arg8[%add3A_41, %dma_start3A_71] : memref<40x128xi32, #tpu.memory_space<vmem>> -> memref<1x128xi32, #tpu.memory_space<vmem>>
            %dma_start3A_73 = tpu.memref_squeeze %dma_start3A_72 : memref<1x128xi32, #tpu.memory_space<vmem>> -> memref<128xi32, #tpu.memory_space<vmem>>
            %dma_start3A_74 = arith.constant 0 : i32
            %dma_start3A_75 = arith.constant 0 : i32
            %dma_start3A_76 = tpu.memref_slice %arg11[%dma_start3A_74, %dma_start3A_75] : memref<10240x128xf32, #tpu.memory_space<vmem_shared>> -> memref<10240x128xf32, #tpu.memory_space<vmem_shared>>
            tpu.enqueue_indirect_dma source(%arg9 : memref<128x128xf32, #tpu.memory_space<vmem>>) target(%dma_start3A_76 : memref<10240x128xf32, #tpu.memory_space<vmem_shared>>) offsets(%dma_start3A_73 : memref<128xi32, #tpu.memory_space<vmem>>) semaphore(%run_scoped3A : memref<!tpu.dma_semaphore, #tpu.memory_space<semaphore_mem>>) {add = true}
            %dma_wait3A_77 = arith.constant 0 : i32
            %dma_wait3A_78 = tpu.memref_slice %arg8[%add3A_41, %dma_wait3A_77] : memref<40x128xi32, #tpu.memory_space<vmem>> -> memref<1x128xi32, #tpu.memory_space<vmem>>
            %dma_wait3A_79 = tpu.memref_squeeze %dma_wait3A_78 : memref<1x128xi32, #tpu.memory_space<vmem>> -> memref<128xi32, #tpu.memory_space<vmem>>
            %dma_wait3A_80 = arith.constant 0 : i32
            %dma_wait3A_81 = arith.constant 0 : i32
            %dma_wait3A_82 = tpu.memref_slice %arg11[%dma_wait3A_80, %dma_wait3A_81] : memref<10240x128xf32, #tpu.memory_space<vmem_shared>> -> memref<10240x128xf32, #tpu.memory_space<vmem_shared>>
            tpu.wait_indirect_dma semaphore(%run_scoped3A : memref<!tpu.dma_semaphore, #tpu.memory_space<semaphore_mem>>) src(%arg9 : memref<128x128xf32, #tpu.memory_space<vmem>>) dst(%dma_wait3A_82 : memref<10240x128xf32, #tpu.memory_space<vmem_shared>>)
            tpu.yield
          }) : () -> ()
          %dma_wait3A_50 = arith.constant 0 : i32
          %dma_wait3A_51 = tpu.memref_slice %arg7[%add3A_43, %dma_wait3A_50] : memref<40x128xi32, #tpu.memory_space<vmem>> -> memref<1x128xi32, #tpu.memory_space<vmem>>
          %dma_wait3A_52 = tpu.memref_squeeze %dma_wait3A_51 : memref<1x128xi32, #tpu.memory_space<vmem>> -> memref<128xi32, #tpu.memory_space<vmem>>
          %dma_wait3A_53 = arith.constant 0 : i32
          %dma_wait3A_54 = arith.constant 0 : i32
          %dma_wait3A_55 = tpu.memref_slice %arg2[%dma_wait3A_53, %dma_wait3A_54] : memref<10240x128xf32, #tpu.memory_space<hbm>> -> memref<10240x128xf32, #tpu.memory_space<hbm>>
          tpu.wait_indirect_dma semaphore(%arg13 : memref<!tpu.dma_semaphore, #tpu.memory_space<semaphore_mem>>) src(%dma_wait3A_55 : memref<10240x128xf32, #tpu.memory_space<hbm>>) dst(%arg10 : memref<128x128xf32, #tpu.memory_space<vmem>>)
          %add3A_56 = arith.constant 2 : i32
          %add3A_57 = arith.addi %add3A_41, %add3A_56 : i32
          %lt3A = arith.constant 40 : i32
          %lt3A_58 = arith.cmpi slt, %add3A_57, %lt3A : i32
          %convert_element_type3A_59 = arith.extui %lt3A_58 : i1 to i32
          %cond3A_60 = arith.constant 0 : i32
          %cond3A_61 = arith.cmpi ne, %convert_element_type3A_59, %cond3A_60 : i32
          scf.if %cond3A_61 {
            %add3A_71 = arith.constant 2 : i32
            %add3A_72 = arith.addi %add3A_41, %add3A_71 : i32
            %dma_start3A_73 = arith.constant 0 : i32
            %dma_start3A_74 = tpu.memref_slice %arg7[%add3A_72, %dma_start3A_73] : memref<40x128xi32, #tpu.memory_space<vmem>> -> memref<1x128xi32, #tpu.memory_space<vmem>>
            %dma_start3A_75 = tpu.memref_squeeze %dma_start3A_74 : memref<1x128xi32, #tpu.memory_space<vmem>> -> memref<128xi32, #tpu.memory_space<vmem>>
            %dma_start3A_76 = arith.constant 0 : i32
            %dma_start3A_77 = arith.constant 0 : i32
            %dma_start3A_78 = tpu.memref_slice %arg2[%dma_start3A_76, %dma_start3A_77] : memref<10240x128xf32, #tpu.memory_space<hbm>> -> memref<10240x128xf32, #tpu.memory_space<hbm>>
            tpu.enqueue_indirect_dma source(%dma_start3A_78 : memref<10240x128xf32, #tpu.memory_space<hbm>>) target(%arg9 : memref<128x128xf32, #tpu.memory_space<vmem>>) offsets(%dma_start3A_75 : memref<128xi32, #tpu.memory_space<vmem>>) semaphore(%arg12 : memref<!tpu.dma_semaphore, #tpu.memory_space<semaphore_mem>>)
          } else {
          }
          %add3A_62 = arith.constant 1 : i32
          %add3A_63 = arith.addi %add3A_41, %add3A_62 : i32
          "tpu.region"() ({
            %run_scoped3A = tpu.sem_alloc : memref<!tpu.dma_semaphore, #tpu.memory_space<semaphore_mem>>
            %dma_start3A_71 = arith.constant 0 : i32
            %dma_start3A_72 = tpu.memref_slice %arg8[%add3A_63, %dma_start3A_71] : memref<40x128xi32, #tpu.memory_space<vmem>> -> memref<1x128xi32, #tpu.memory_space<vmem>>
            %dma_start3A_73 = tpu.memref_squeeze %dma_start3A_72 : memref<1x128xi32, #tpu.memory_space<vmem>> -> memref<128xi32, #tpu.memory_space<vmem>>
            %dma_start3A_74 = arith.constant 0 : i32
            %dma_start3A_75 = arith.constant 0 : i32
            %dma_start3A_76 = tpu.memref_slice %arg11[%dma_start3A_74, %dma_start3A_75] : memref<10240x128xf32, #tpu.memory_space<vmem_shared>> -> memref<10240x128xf32, #tpu.memory_space<vmem_shared>>
            tpu.enqueue_indirect_dma source(%arg10 : memref<128x128xf32, #tpu.memory_space<vmem>>) target(%dma_start3A_76 : memref<10240x128xf32, #tpu.memory_space<vmem_shared>>) offsets(%dma_start3A_73 : memref<128xi32, #tpu.memory_space<vmem>>) semaphore(%run_scoped3A : memref<!tpu.dma_semaphore, #tpu.memory_space<semaphore_mem>>) {add = true}
            %dma_wait3A_77 = arith.constant 0 : i32
            %dma_wait3A_78 = tpu.memref_slice %arg8[%add3A_63, %dma_wait3A_77] : memref<40x128xi32, #tpu.memory_space<vmem>> -> memref<1x128xi32, #tpu.memory_space<vmem>>
            %dma_wait3A_79 = tpu.memref_squeeze %dma_wait3A_78 : memref<1x128xi32, #tpu.memory_space<vmem>> -> memref<128xi32, #tpu.memory_space<vmem>>
            %dma_wait3A_80 = arith.constant 0 : i32
            %dma_wait3A_81 = arith.constant 0 : i32
            %dma_wait3A_82 = tpu.memref_slice %arg11[%dma_wait3A_80, %dma_wait3A_81] : memref<10240x128xf32, #tpu.memory_space<vmem_shared>> -> memref<10240x128xf32, #tpu.memory_space<vmem_shared>>
            tpu.wait_indirect_dma semaphore(%run_scoped3A : memref<!tpu.dma_semaphore, #tpu.memory_space<semaphore_mem>>) src(%arg10 : memref<128x128xf32, #tpu.memory_space<vmem>>) dst(%dma_wait3A_82 : memref<10240x128xf32, #tpu.memory_space<vmem_shared>>)
            tpu.yield
          }) : () -> ()
          %add3A_64 = arith.constant 2 : i32
          %add3A_65 = arith.addi %add3A_41, %add3A_64 : i32
          %lt3A_66 = arith.constant 40 : i32
          %lt3A_67 = arith.cmpi slt, %add3A_65, %lt3A_66 : i32
          %convert_element_type3A_68 = arith.extui %lt3A_67 : i1 to i32
          %cond3A_69 = arith.constant 0 : i32
          %cond3A_70 = arith.cmpi ne, %convert_element_type3A_68, %cond3A_69 : i32
          scf.if %cond3A_70 {
            %add3A_71 = arith.constant 2 : i32
            %add3A_72 = arith.addi %add3A_41, %add3A_71 : i32
            %dma_wait3A_73 = arith.constant 0 : i32
            %dma_wait3A_74 = tpu.memref_slice %arg7[%add3A_72, %dma_wait3A_73] : memref<40x128xi32, #tpu.memory_space<vmem>> -> memref<1x128xi32, #tpu.memory_space<vmem>>
            %dma_wait3A_75 = tpu.memref_squeeze %dma_wait3A_74 : memref<1x128xi32, #tpu.memory_space<vmem>> -> memref<128xi32, #tpu.memory_space<vmem>>
            %dma_wait3A_76 = arith.constant 0 : i32
            %dma_wait3A_77 = arith.constant 0 : i32
            %dma_wait3A_78 = tpu.memref_slice %arg2[%dma_wait3A_76, %dma_wait3A_77] : memref<10240x128xf32, #tpu.memory_space<hbm>> -> memref<10240x128xf32, #tpu.memory_space<hbm>>
            tpu.wait_indirect_dma semaphore(%arg12 : memref<!tpu.dma_semaphore, #tpu.memory_space<semaphore_mem>>) src(%dma_wait3A_78 : memref<10240x128xf32, #tpu.memory_space<hbm>>) dst(%arg9 : memref<128x128xf32, #tpu.memory_space<vmem>>)
          } else {
          }
        }
        %scan3A_36 = arith.constant 20 : i32
      }
      %scan3A_12 = arith.constant 3 : i32
    } else {
    }
    %eq3A_3 = arith.constant 1 : i32
    %eq3A_4 = arith.cmpi eq, %arg0, %eq3A_3 : i32
    %convert_element_type3A_5 = arith.extui %eq3A_4 : i1 to i32
    %cond3A_6 = arith.constant 0 : i32
    %cond3A_7 = arith.cmpi ne, %convert_element_type3A_5, %cond3A_6 : i32
    scf.if %cond3A_7 {
      %scan3A = arith.constant 0 : i32
      %mul3A_9 = arith.constant 1 : i32
      %mul3A_10 = arith.muli %scan3A, %mul3A_9 : i32
      %add3A = arith.constant 0 : i32
      %add3A_11 = arith.addi %add3A, %mul3A_10 : i32
      %mul3A_12 = arith.constant 4 : i32
      %mul3A_13 = arith.muli %arg1, %mul3A_12 : i32
      %add3A_14 = arith.constant 3 : i32
      %add3A_15 = arith.addi %mul3A_13, %add3A_14 : i32
      %add3A_16 = arith.addi %add3A_15, %add3A_11 : i32
      "tpu.region"() ({
        %run_scoped3A = tpu.sem_alloc : memref<!tpu.dma_semaphore, #tpu.memory_space<semaphore_mem>>
        %dma_start3A_35 = arith.constant 0 : i32
        %dma_start3A_36 = arith.constant 0 : i32
        %dma_start3A_37 = tpu.memref_slice %arg3[%add3A_16, %dma_start3A_35, %dma_start3A_36] : memref<64x40x128xi32, #tpu.memory_space<hbm>> -> memref<1x40x128xi32, #tpu.memory_space<hbm>>
        %dma_start3A_38 = tpu.memref_squeeze %dma_start3A_37 : memref<1x40x128xi32, #tpu.memory_space<hbm>> -> memref<40x128xi32, #tpu.memory_space<hbm>>
        %dma_start3A_39 = arith.constant 0 : i32
        %dma_start3A_40 = arith.constant 0 : i32
        %dma_start3A_41 = tpu.memref_slice %arg3[%add3A_16, %dma_start3A_39, %dma_start3A_40] : memref<64x40x128xi32, #tpu.memory_space<hbm>> -> memref<1x40x128xi32, #tpu.memory_space<hbm>>
        %dma_start3A_42 = tpu.memref_squeeze %dma_start3A_41 : memref<1x40x128xi32, #tpu.memory_space<hbm>> -> memref<40x128xi32, #tpu.memory_space<hbm>>
        tpu.enqueue_dma source(%dma_start3A_42 : memref<40x128xi32, #tpu.memory_space<hbm>>) target(%arg7 : memref<40x128xi32, #tpu.memory_space<vmem>>) target_semaphore(%run_scoped3A : memref<!tpu.dma_semaphore, #tpu.memory_space<semaphore_mem>>)
        %dma_wait3A_43 = arith.constant 0 : i32
        %dma_wait3A_44 = arith.constant 0 : i32
        %dma_wait3A_45 = tpu.memref_slice %arg3[%add3A_16, %dma_wait3A_43, %dma_wait3A_44] : memref<64x40x128xi32, #tpu.memory_space<hbm>> -> memref<1x40x128xi32, #tpu.memory_space<hbm>>
        %dma_wait3A_46 = tpu.memref_squeeze %dma_wait3A_45 : memref<1x40x128xi32, #tpu.memory_space<hbm>> -> memref<40x128xi32, #tpu.memory_space<hbm>>
        %dma_wait3A_47 = arith.constant 0 : i32
        %dma_wait3A_48 = arith.constant 0 : i32
        %dma_wait3A_49 = tpu.memref_slice %arg3[%add3A_16, %dma_wait3A_47, %dma_wait3A_48] : memref<64x40x128xi32, #tpu.memory_space<hbm>> -> memref<1x40x128xi32, #tpu.memory_space<hbm>>
        %dma_wait3A_50 = tpu.memref_squeeze %dma_wait3A_49 : memref<1x40x128xi32, #tpu.memory_space<hbm>> -> memref<40x128xi32, #tpu.memory_space<hbm>>
        tpu.wait_dma2 semaphore(%run_scoped3A : memref<!tpu.dma_semaphore, #tpu.memory_space<semaphore_mem>>) src(%dma_wait3A_50 : memref<40x128xi32, #tpu.memory_space<hbm>>) dst(%arg7 : memref<40x128xi32, #tpu.memory_space<vmem>>)
        tpu.yield
      }) : () -> ()
      "tpu.region"() ({
        %run_scoped3A = tpu.sem_alloc : memref<!tpu.dma_semaphore, #tpu.memory_space<semaphore_mem>>
        %dma_start3A_35 = arith.constant 0 : i32
        %dma_start3A_36 = arith.constant 0 : i32
        %dma_start3A_37 = tpu.memref_slice %arg4[%add3A_16, %dma_start3A_35, %dma_start3A_36] : memref<64x40x128xi32, #tpu.memory_space<hbm>> -> memref<1x40x128xi32, #tpu.memory_space<hbm>>
        %dma_start3A_38 = tpu.memref_squeeze %dma_start3A_37 : memref<1x40x128xi32, #tpu.memory_space<hbm>> -> memref<40x128xi32, #tpu.memory_space<hbm>>
        %dma_start3A_39 = arith.constant 0 : i32
        %dma_start3A_40 = arith.constant 0 : i32
        %dma_start3A_41 = tpu.memref_slice %arg4[%add3A_16, %dma_start3A_39, %dma_start3A_40] : memref<64x40x128xi32, #tpu.memory_space<hbm>> -> memref<1x40x128xi32, #tpu.memory_space<hbm>>
        %dma_start3A_42 = tpu.memref_squeeze %dma_start3A_41 : memref<1x40x128xi32, #tpu.memory_space<hbm>> -> memref<40x128xi32, #tpu.memory_space<hbm>>
        tpu.enqueue_dma source(%dma_start3A_42 : memref<40x128xi32, #tpu.memory_space<hbm>>) target(%arg8 : memref<40x128xi32, #tpu.memory_space<vmem>>) target_semaphore(%run_scoped3A : memref<!tpu.dma_semaphore, #tpu.memory_space<semaphore_mem>>)
        %dma_wait3A_43 = arith.constant 0 : i32
        %dma_wait3A_44 = arith.constant 0 : i32
        %dma_wait3A_45 = tpu.memref_slice %arg4[%add3A_16, %dma_wait3A_43, %dma_wait3A_44] : memref<64x40x128xi32, #tpu.memory_space<hbm>> -> memref<1x40x128xi32, #tpu.memory_space<hbm>>
        %dma_wait3A_46 = tpu.memref_squeeze %dma_wait3A_45 : memref<1x40x128xi32, #tpu.memory_space<hbm>> -> memref<40x128xi32, #tpu.memory_space<hbm>>
        %dma_wait3A_47 = arith.constant 0 : i32
        %dma_wait3A_48 = arith.constant 0 : i32
        %dma_wait3A_49 = tpu.memref_slice %arg4[%add3A_16, %dma_wait3A_47, %dma_wait3A_48] : memref<64x40x128xi32, #tpu.memory_space<hbm>> -> memref<1x40x128xi32, #tpu.memory_space<hbm>>
        %dma_wait3A_50 = tpu.memref_squeeze %dma_wait3A_49 : memref<1x40x128xi32, #tpu.memory_space<hbm>> -> memref<40x128xi32, #tpu.memory_space<hbm>>
        tpu.wait_dma2 semaphore(%run_scoped3A : memref<!tpu.dma_semaphore, #tpu.memory_space<semaphore_mem>>) src(%dma_wait3A_50 : memref<40x128xi32, #tpu.memory_space<hbm>>) dst(%arg8 : memref<40x128xi32, #tpu.memory_space<vmem>>)
        tpu.yield
      }) : () -> ()
      %dma_start3A = arith.constant 0 : i32
      %dma_start3A_17 = arith.constant 0 : i32
      %dma_start3A_18 = tpu.memref_slice %arg7[%dma_start3A, %dma_start3A_17] : memref<40x128xi32, #tpu.memory_space<vmem>> -> memref<1x128xi32, #tpu.memory_space<vmem>>
      %dma_start3A_19 = tpu.memref_squeeze %dma_start3A_18 : memref<1x128xi32, #tpu.memory_space<vmem>> -> memref<128xi32, #tpu.memory_space<vmem>>
      %dma_start3A_20 = arith.constant 0 : i32
      %dma_start3A_21 = arith.constant 0 : i32
      %dma_start3A_22 = tpu.memref_slice %arg2[%dma_start3A_20, %dma_start3A_21] : memref<10240x128xf32, #tpu.memory_space<hbm>> -> memref<10240x128xf32, #tpu.memory_space<hbm>>
      tpu.enqueue_indirect_dma source(%dma_start3A_22 : memref<10240x128xf32, #tpu.memory_space<hbm>>) target(%arg9 : memref<128x128xf32, #tpu.memory_space<vmem>>) offsets(%dma_start3A_19 : memref<128xi32, #tpu.memory_space<vmem>>) semaphore(%arg12 : memref<!tpu.dma_semaphore, #tpu.memory_space<semaphore_mem>>)
      %dma_wait3A = arith.constant 0 : i32
      %dma_wait3A_23 = arith.constant 0 : i32
      %dma_wait3A_24 = tpu.memref_slice %arg7[%dma_wait3A, %dma_wait3A_23] : memref<40x128xi32, #tpu.memory_space<vmem>> -> memref<1x128xi32, #tpu.memory_space<vmem>>
      %dma_wait3A_25 = tpu.memref_squeeze %dma_wait3A_24 : memref<1x128xi32, #tpu.memory_space<vmem>> -> memref<128xi32, #tpu.memory_space<vmem>>
      %dma_wait3A_26 = arith.constant 0 : i32
      %dma_wait3A_27 = arith.constant 0 : i32
      %dma_wait3A_28 = tpu.memref_slice %arg2[%dma_wait3A_26, %dma_wait3A_27] : memref<10240x128xf32, #tpu.memory_space<hbm>> -> memref<10240x128xf32, #tpu.memory_space<hbm>>
      tpu.wait_indirect_dma semaphore(%arg12 : memref<!tpu.dma_semaphore, #tpu.memory_space<semaphore_mem>>) src(%dma_wait3A_28 : memref<10240x128xf32, #tpu.memory_space<hbm>>) dst(%arg9 : memref<128x128xf32, #tpu.memory_space<vmem>>)
      %scan3A_29 = arith.constant 0 : i32
      %scan3A_30 = arith.constant 20 : i32
      %scan3A_31 = arith.addi %scan3A_29, %scan3A_30 : i32
      %scan3A_32 = arith.constant 1 : i32
      scf.for %scan3A_35 = %scan3A_29 to %scan3A_31 step %scan3A_32  : i32 {
        %mul3A_36 = arith.constant 2 : i32
        %mul3A_37 = arith.muli %scan3A_35, %mul3A_36 : i32
        %add3A_38 = arith.constant 0 : i32
        %add3A_39 = arith.addi %add3A_38, %mul3A_37 : i32
        %add3A_40 = arith.constant 1 : i32
        %add3A_41 = arith.addi %add3A_39, %add3A_40 : i32
        %dma_start3A_42 = arith.constant 0 : i32
        %dma_start3A_43 = tpu.memref_slice %arg7[%add3A_41, %dma_start3A_42] : memref<40x128xi32, #tpu.memory_space<vmem>> -> memref<1x128xi32, #tpu.memory_space<vmem>>
        %dma_start3A_44 = tpu.memref_squeeze %dma_start3A_43 : memref<1x128xi32, #tpu.memory_space<vmem>> -> memref<128xi32, #tpu.memory_space<vmem>>
        %dma_start3A_45 = arith.constant 0 : i32
        %dma_start3A_46 = arith.constant 0 : i32
        %dma_start3A_47 = tpu.memref_slice %arg2[%dma_start3A_45, %dma_start3A_46] : memref<10240x128xf32, #tpu.memory_space<hbm>> -> memref<10240x128xf32, #tpu.memory_space<hbm>>
        tpu.enqueue_indirect_dma source(%dma_start3A_47 : memref<10240x128xf32, #tpu.memory_space<hbm>>) target(%arg10 : memref<128x128xf32, #tpu.memory_space<vmem>>) offsets(%dma_start3A_44 : memref<128xi32, #tpu.memory_space<vmem>>) semaphore(%arg13 : memref<!tpu.dma_semaphore, #tpu.memory_space<semaphore_mem>>)
        "tpu.region"() ({
          %run_scoped3A = tpu.sem_alloc : memref<!tpu.dma_semaphore, #tpu.memory_space<semaphore_mem>>
          %dma_start3A_69 = arith.constant 0 : i32
          %dma_start3A_70 = tpu.memref_slice %arg8[%add3A_39, %dma_start3A_69] : memref<40x128xi32, #tpu.memory_space<vmem>> -> memref<1x128xi32, #tpu.memory_space<vmem>>
          %dma_start3A_71 = tpu.memref_squeeze %dma_start3A_70 : memref<1x128xi32, #tpu.memory_space<vmem>> -> memref<128xi32, #tpu.memory_space<vmem>>
          %dma_start3A_72 = arith.constant 0 : i32
          %dma_start3A_73 = arith.constant 0 : i32
          %dma_start3A_74 = tpu.memref_slice %arg11[%dma_start3A_72, %dma_start3A_73] : memref<10240x128xf32, #tpu.memory_space<vmem_shared>> -> memref<10240x128xf32, #tpu.memory_space<vmem_shared>>
          tpu.enqueue_indirect_dma source(%arg9 : memref<128x128xf32, #tpu.memory_space<vmem>>) target(%dma_start3A_74 : memref<10240x128xf32, #tpu.memory_space<vmem_shared>>) offsets(%dma_start3A_71 : memref<128xi32, #tpu.memory_space<vmem>>) semaphore(%run_scoped3A : memref<!tpu.dma_semaphore, #tpu.memory_space<semaphore_mem>>) {add = true}
          %dma_wait3A_75 = arith.constant 0 : i32
          %dma_wait3A_76 = tpu.memref_slice %arg8[%add3A_39, %dma_wait3A_75] : memref<40x128xi32, #tpu.memory_space<vmem>> -> memref<1x128xi32, #tpu.memory_space<vmem>>
          %dma_wait3A_77 = tpu.memref_squeeze %dma_wait3A_76 : memref<1x128xi32, #tpu.memory_space<vmem>> -> memref<128xi32, #tpu.memory_space<vmem>>
          %dma_wait3A_78 = arith.constant 0 : i32
          %dma_wait3A_79 = arith.constant 0 : i32
          %dma_wait3A_80 = tpu.memref_slice %arg11[%dma_wait3A_78, %dma_wait3A_79] : memref<10240x128xf32, #tpu.memory_space<vmem_shared>> -> memref<10240x128xf32, #tpu.memory_space<vmem_shared>>
          tpu.wait_indirect_dma semaphore(%run_scoped3A : memref<!tpu.dma_semaphore, #tpu.memory_space<semaphore_mem>>) src(%arg9 : memref<128x128xf32, #tpu.memory_space<vmem>>) dst(%dma_wait3A_80 : memref<10240x128xf32, #tpu.memory_space<vmem_shared>>)
          tpu.yield
        }) : () -> ()
        %dma_wait3A_48 = arith.constant 0 : i32
        %dma_wait3A_49 = tpu.memref_slice %arg7[%add3A_41, %dma_wait3A_48] : memref<40x128xi32, #tpu.memory_space<vmem>> -> memref<1x128xi32, #tpu.memory_space<vmem>>
        %dma_wait3A_50 = tpu.memref_squeeze %dma_wait3A_49 : memref<1x128xi32, #tpu.memory_space<vmem>> -> memref<128xi32, #tpu.memory_space<vmem>>
        %dma_wait3A_51 = arith.constant 0 : i32
        %dma_wait3A_52 = arith.constant 0 : i32
        %dma_wait3A_53 = tpu.memref_slice %arg2[%dma_wait3A_51, %dma_wait3A_52] : memref<10240x128xf32, #tpu.memory_space<hbm>> -> memref<10240x128xf32, #tpu.memory_space<hbm>>
        tpu.wait_indirect_dma semaphore(%arg13 : memref<!tpu.dma_semaphore, #tpu.memory_space<semaphore_mem>>) src(%dma_wait3A_53 : memref<10240x128xf32, #tpu.memory_space<hbm>>) dst(%arg10 : memref<128x128xf32, #tpu.memory_space<vmem>>)
        %add3A_54 = arith.constant 2 : i32
        %add3A_55 = arith.addi %add3A_39, %add3A_54 : i32
        %lt3A = arith.constant 40 : i32
        %lt3A_56 = arith.cmpi slt, %add3A_55, %lt3A : i32
        %convert_element_type3A_57 = arith.extui %lt3A_56 : i1 to i32
        %cond3A_58 = arith.constant 0 : i32
        %cond3A_59 = arith.cmpi ne, %convert_element_type3A_57, %cond3A_58 : i32
        scf.if %cond3A_59 {
          %add3A_69 = arith.constant 2 : i32
          %add3A_70 = arith.addi %add3A_39, %add3A_69 : i32
          %dma_start3A_71 = arith.constant 0 : i32
          %dma_start3A_72 = tpu.memref_slice %arg7[%add3A_70, %dma_start3A_71] : memref<40x128xi32, #tpu.memory_space<vmem>> -> memref<1x128xi32, #tpu.memory_space<vmem>>
          %dma_start3A_73 = tpu.memref_squeeze %dma_start3A_72 : memref<1x128xi32, #tpu.memory_space<vmem>> -> memref<128xi32, #tpu.memory_space<vmem>>
          %dma_start3A_74 = arith.constant 0 : i32
          %dma_start3A_75 = arith.constant 0 : i32
          %dma_start3A_76 = tpu.memref_slice %arg2[%dma_start3A_74, %dma_start3A_75] : memref<10240x128xf32, #tpu.memory_space<hbm>> -> memref<10240x128xf32, #tpu.memory_space<hbm>>
          tpu.enqueue_indirect_dma source(%dma_start3A_76 : memref<10240x128xf32, #tpu.memory_space<hbm>>) target(%arg9 : memref<128x128xf32, #tpu.memory_space<vmem>>) offsets(%dma_start3A_73 : memref<128xi32, #tpu.memory_space<vmem>>) semaphore(%arg12 : memref<!tpu.dma_semaphore, #tpu.memory_space<semaphore_mem>>)
        } else {
        }
        %add3A_60 = arith.constant 1 : i32
        %add3A_61 = arith.addi %add3A_39, %add3A_60 : i32
        "tpu.region"() ({
          %run_scoped3A = tpu.sem_alloc : memref<!tpu.dma_semaphore, #tpu.memory_space<semaphore_mem>>
          %dma_start3A_69 = arith.constant 0 : i32
          %dma_start3A_70 = tpu.memref_slice %arg8[%add3A_61, %dma_start3A_69] : memref<40x128xi32, #tpu.memory_space<vmem>> -> memref<1x128xi32, #tpu.memory_space<vmem>>
          %dma_start3A_71 = tpu.memref_squeeze %dma_start3A_70 : memref<1x128xi32, #tpu.memory_space<vmem>> -> memref<128xi32, #tpu.memory_space<vmem>>
          %dma_start3A_72 = arith.constant 0 : i32
          %dma_start3A_73 = arith.constant 0 : i32
          %dma_start3A_74 = tpu.memref_slice %arg11[%dma_start3A_72, %dma_start3A_73] : memref<10240x128xf32, #tpu.memory_space<vmem_shared>> -> memref<10240x128xf32, #tpu.memory_space<vmem_shared>>
          tpu.enqueue_indirect_dma source(%arg10 : memref<128x128xf32, #tpu.memory_space<vmem>>) target(%dma_start3A_74 : memref<10240x128xf32, #tpu.memory_space<vmem_shared>>) offsets(%dma_start3A_71 : memref<128xi32, #tpu.memory_space<vmem>>) semaphore(%run_scoped3A : memref<!tpu.dma_semaphore, #tpu.memory_space<semaphore_mem>>) {add = true}
          %dma_wait3A_75 = arith.constant 0 : i32
          %dma_wait3A_76 = tpu.memref_slice %arg8[%add3A_61, %dma_wait3A_75] : memref<40x128xi32, #tpu.memory_space<vmem>> -> memref<1x128xi32, #tpu.memory_space<vmem>>
          %dma_wait3A_77 = tpu.memref_squeeze %dma_wait3A_76 : memref<1x128xi32, #tpu.memory_space<vmem>> -> memref<128xi32, #tpu.memory_space<vmem>>
          %dma_wait3A_78 = arith.constant 0 : i32
          %dma_wait3A_79 = arith.constant 0 : i32
          %dma_wait3A_80 = tpu.memref_slice %arg11[%dma_wait3A_78, %dma_wait3A_79] : memref<10240x128xf32, #tpu.memory_space<vmem_shared>> -> memref<10240x128xf32, #tpu.memory_space<vmem_shared>>
          tpu.wait_indirect_dma semaphore(%run_scoped3A : memref<!tpu.dma_semaphore, #tpu.memory_space<semaphore_mem>>) src(%arg10 : memref<128x128xf32, #tpu.memory_space<vmem>>) dst(%dma_wait3A_80 : memref<10240x128xf32, #tpu.memory_space<vmem_shared>>)
          tpu.yield
        }) : () -> ()
        %add3A_62 = arith.constant 2 : i32
        %add3A_63 = arith.addi %add3A_39, %add3A_62 : i32
        %lt3A_64 = arith.constant 40 : i32
        %lt3A_65 = arith.cmpi slt, %add3A_63, %lt3A_64 : i32
        %convert_element_type3A_66 = arith.extui %lt3A_65 : i1 to i32
        %cond3A_67 = arith.constant 0 : i32
        %cond3A_68 = arith.cmpi ne, %convert_element_type3A_66, %cond3A_67 : i32
        scf.if %cond3A_68 {
          %add3A_69 = arith.constant 2 : i32
          %add3A_70 = arith.addi %add3A_39, %add3A_69 : i32
          %dma_wait3A_71 = arith.constant 0 : i32
          %dma_wait3A_72 = tpu.memref_slice %arg7[%add3A_70, %dma_wait3A_71] : memref<40x128xi32, #tpu.memory_space<vmem>> -> memref<1x128xi32, #tpu.memory_space<vmem>>
          %dma_wait3A_73 = tpu.memref_squeeze %dma_wait3A_72 : memref<1x128xi32, #tpu.memory_space<vmem>> -> memref<128xi32, #tpu.memory_space<vmem>>
          %dma_wait3A_74 = arith.constant 0 : i32
          %dma_wait3A_75 = arith.constant 0 : i32
          %dma_wait3A_76 = tpu.memref_slice %arg2[%dma_wait3A_74, %dma_wait3A_75] : memref<10240x128xf32, #tpu.memory_space<hbm>> -> memref<10240x128xf32, #tpu.memory_space<hbm>>
          tpu.wait_indirect_dma semaphore(%arg12 : memref<!tpu.dma_semaphore, #tpu.memory_space<semaphore_mem>>) src(%dma_wait3A_76 : memref<10240x128xf32, #tpu.memory_space<hbm>>) dst(%arg9 : memref<128x128xf32, #tpu.memory_space<vmem>>)
        } else {
        }
      }
      %scan3A_33 = arith.constant 20 : i32
      %scan3A_34 = arith.constant 1 : i32
    } else {
    }
    %barrier3A_8 = arith.constant 0 : index
    tpu.barrier barrier_id(%barrier3A_8)
    "tpu.region"() ({
      %run_scoped3A = tpu.sem_alloc : memref<!tpu.dma_semaphore, #tpu.memory_space<semaphore_mem>>
      %dma_start3A = arith.constant 0 : i32
      %dma_start3A_9 = tpu.memref_slice %arg6[%arg0, %mul3A_0, %dma_start3A] : memref<2x10240x128xf32, #tpu.memory_space<hbm>> -> memref<1x640x128xf32, #tpu.memory_space<hbm>>
      %dma_start3A_10 = tpu.memref_squeeze %dma_start3A_9 : memref<1x640x128xf32, #tpu.memory_space<hbm>> -> memref<640x128xf32, #tpu.memory_space<hbm>>
      %dma_start3A_11 = arith.constant 0 : i32
      %dma_start3A_12 = tpu.memref_slice %arg11[%mul3A_0, %dma_start3A_11] : memref<10240x128xf32, #tpu.memory_space<vmem_shared>> -> memref<640x128xf32, #tpu.memory_space<vmem_shared>>
      tpu.enqueue_dma source(%dma_start3A_12 : memref<640x128xf32, #tpu.memory_space<vmem_shared>>) target(%dma_start3A_10 : memref<640x128xf32, #tpu.memory_space<hbm>>) target_semaphore(%run_scoped3A : memref<!tpu.dma_semaphore, #tpu.memory_space<semaphore_mem>>)
      %dma_wait3A = arith.constant 0 : i32
      %dma_wait3A_13 = tpu.memref_slice %arg6[%arg0, %mul3A_0, %dma_wait3A] : memref<2x10240x128xf32, #tpu.memory_space<hbm>> -> memref<1x640x128xf32, #tpu.memory_space<hbm>>
      %dma_wait3A_14 = tpu.memref_squeeze %dma_wait3A_13 : memref<1x640x128xf32, #tpu.memory_space<hbm>> -> memref<640x128xf32, #tpu.memory_space<hbm>>
      %dma_wait3A_15 = arith.constant 0 : i32
      %dma_wait3A_16 = tpu.memref_slice %arg11[%mul3A_0, %dma_wait3A_15] : memref<10240x128xf32, #tpu.memory_space<vmem_shared>> -> memref<640x128xf32, #tpu.memory_space<vmem_shared>>
      tpu.wait_dma2 semaphore(%run_scoped3A : memref<!tpu.dma_semaphore, #tpu.memory_space<semaphore_mem>>) src(%dma_wait3A_16 : memref<640x128xf32, #tpu.memory_space<vmem_shared>>) dst(%dma_wait3A_14 : memref<640x128xf32, #tpu.memory_space<hbm>>)
      tpu.yield
    }) : () -> ()
    return
  }
}

module attributes {stable_mosaic.version = 14 : i64} {
  func.func @_prep_body(%arg0: i32, %arg1: memref<512x1xf32, #tpu.memory_space<vmem>>, %arg2: memref<512x1xf32, #tpu.memory_space<vmem>>, %arg3: memref<512x128xf32, #tpu.memory_space<vmem>>, %arg4: memref<512x1xf32, #tpu.memory_space<vmem>>, %arg5: memref<512x128xf32, #tpu.memory_space<vmem>>) attributes {dimension_semantics = [#tpu.dimension_semantics<arbitrary>], iteration_bounds = array<i64: 20>, scalar_prefetch = 0 : i64, scratch_operands = 0 : i64, tpu.core_type = #tpu.core_type<tc>, window_params = [{transform_indices = @transform_0, window_bounds = array<i64: 512, 1>}, {transform_indices = @transform_1, window_bounds = array<i64: 512, 1>}, {transform_indices = @transform_2, window_bounds = array<i64: 512, 128>}, {transform_indices = @transform_3, window_bounds = array<i64: 512, 1>}, {transform_indices = @transform_4, window_bounds = array<i64: 512, 128>}]} {
    %get3A = arith.constant 0 : index
    %get3A_0 = arith.constant 0 : index
    %get3A_1 = vector.load %arg1[%get3A, %get3A_0] : memref<512x1xf32, #tpu.memory_space<vmem>>, vector<512x1xf32>
    %get3A_2 = arith.constant 0 : index
    %get3A_3 = arith.constant 0 : index
    %get3A_4 = vector.load %arg2[%get3A_2, %get3A_3] : memref<512x1xf32, #tpu.memory_space<vmem>>, vector<512x1xf32>
    %add3A = arith.addf %get3A_1, %get3A_4 : vector<512x1xf32>
    %add3A_5 = arith.constant 1.000000e+00 : f32
    %add3A_6 = vector.broadcast %add3A_5 : f32 to vector<512x1xf32>
    %add3A_7 = arith.addf %add3A, %add3A_6 : vector<512x1xf32>
    %rsqrt3A = math.rsqrt %add3A_7 : vector<512x1xf32>
    %swap3A = arith.constant 0 : index
    %swap3A_8 = arith.constant 0 : index
    %swap3A_9 = vector.load %arg4[%swap3A, %swap3A_8] : memref<512x1xf32, #tpu.memory_space<vmem>>, vector<512x1xf32>
    tpu.vector_store %arg4[%swap3A, %swap3A_8], %rsqrt3A {strides = array<i32>} : memref<512x1xf32, #tpu.memory_space<vmem>>, vector<512x1xf32>,
    %get3A_10 = arith.constant 0 : index
    %get3A_11 = arith.constant 0 : index
    %get3A_12 = vector.load %arg3[%get3A_10, %get3A_11] : memref<512x128xf32, #tpu.memory_space<vmem>>, vector<512x128xf32>
    %mul3A = vector.broadcast %rsqrt3A : vector<512x1xf32> to vector<512x128xf32>
    %mul3A_13 = arith.mulf %mul3A, %get3A_12 : vector<512x128xf32>
    %swap3A_14 = arith.constant 0 : index
    %swap3A_15 = arith.constant 0 : index
    %swap3A_16 = vector.load %arg5[%swap3A_14, %swap3A_15] : memref<512x128xf32, #tpu.memory_space<vmem>>, vector<512x128xf32>
    tpu.vector_store %arg5[%swap3A_14, %swap3A_15], %mul3A_13 {strides = array<i32>} : memref<512x128xf32, #tpu.memory_space<vmem>>, vector<512x128xf32>,
    return
  }
  func.func @transform_0(%arg0: i32) -> (i32, i32) {
    %c0_i32 = arith.constant 0 : i32
    %c0_i32_0 = arith.constant 0 : i32
    return %arg0, %c0_i32 : i32, i32
  }
  func.func @transform_1(%arg0: i32) -> (i32, i32) {
    %c0_i32 = arith.constant 0 : i32
    %c0_i32_0 = arith.constant 0 : i32
    return %arg0, %c0_i32 : i32, i32
  }
  func.func @transform_2(%arg0: i32) -> (i32, i32) {
    %c0_i32 = arith.constant 0 : i32
    %c0_i32_0 = arith.constant 0 : i32
    return %arg0, %c0_i32 : i32, i32
  }
  func.func @transform_3(%arg0: i32) -> (i32, i32) {
    %c0_i32 = arith.constant 0 : i32
    %c0_i32_0 = arith.constant 0 : i32
    return %arg0, %c0_i32 : i32, i32
  }
  func.func @transform_4(%arg0: i32) -> (i32, i32) {
    %c0_i32 = arith.constant 0 : i32
    %c0_i32_0 = arith.constant 0 : i32
    return %arg0, %c0_i32 : i32, i32
  }
}

module attributes {stable_mosaic.version = 14 : i64} {
  func.func @_l1_body(%arg0: i32, %arg1: memref<512x128xf32, #tpu.memory_space<vmem>>, %arg2: memref<512x128xf32, #tpu.memory_space<vmem>>, %arg3: memref<512x128xf32, #tpu.memory_space<vmem>>, %arg4: memref<512x1xf32, #tpu.memory_space<vmem>>, %arg5: memref<128x256xf32, #tpu.memory_space<vmem>>, %arg6: memref<1x256xf32, #tpu.memory_space<vmem>>, %arg7: memref<512x256xf32, #tpu.memory_space<vmem>>, %arg8: memref<2x256xf32, #tpu.memory_space<vmem>>) attributes {dimension_semantics = [#tpu.dimension_semantics<arbitrary>], iteration_bounds = array<i64: 20>, scalar_prefetch = 0 : i64, scratch_operands = 0 : i64, tpu.core_type = #tpu.core_type<tc>, window_params = [{transform_indices = @transform_0, window_bounds = array<i64: 512, 128>}, {transform_indices = @transform_1, window_bounds = array<i64: 512, 128>}, {transform_indices = @transform_2, window_bounds = array<i64: 512, 128>}, {transform_indices = @transform_3, window_bounds = array<i64: 512, 1>}, {pipeline_mode = #tpu.pipeline_mode<synchronous>, transform_indices = @transform_4, window_bounds = array<i64: 128, 256>}, {pipeline_mode = #tpu.pipeline_mode<synchronous>, transform_indices = @transform_5, window_bounds = array<i64: 1, 256>}, {transform_indices = @transform_6, window_bounds = array<i64: 512, 256>}, {pipeline_mode = #tpu.pipeline_mode<synchronous>, transform_indices = @transform_7, window_bounds = array<i64: 2, 256>}]} {
    %get3A = arith.constant 0 : index
    %get3A_0 = arith.constant 0 : index
    %get3A_1 = vector.load %arg4[%get3A, %get3A_0] : memref<512x1xf32, #tpu.memory_space<vmem>>, vector<512x1xf32>
    %get3A_2 = arith.constant 0 : index
    %get3A_3 = arith.constant 0 : index
    %get3A_4 = vector.load %arg1[%get3A_2, %get3A_3] : memref<512x128xf32, #tpu.memory_space<vmem>>, vector<512x128xf32>
    %get3A_5 = arith.constant 0 : index
    %get3A_6 = arith.constant 0 : index
    %get3A_7 = vector.load %arg2[%get3A_5, %get3A_6] : memref<512x128xf32, #tpu.memory_space<vmem>>, vector<512x128xf32>
    %add3A = arith.addf %get3A_4, %get3A_7 : vector<512x128xf32>
    %get3A_8 = arith.constant 0 : index
    %get3A_9 = arith.constant 0 : index
    %get3A_10 = vector.load %arg3[%get3A_8, %get3A_9] : memref<512x128xf32, #tpu.memory_space<vmem>>, vector<512x128xf32>
    %add3A_11 = arith.addf %add3A, %get3A_10 : vector<512x128xf32>
    %mul3A = vector.broadcast %get3A_1 : vector<512x1xf32> to vector<512x128xf32>
    %mul3A_12 = arith.mulf %mul3A, %add3A_11 : vector<512x128xf32>
    %get3A_13 = arith.constant 0 : index
    %get3A_14 = arith.constant 0 : index
    %get3A_15 = vector.load %arg5[%get3A_13, %get3A_14] : memref<128x256xf32, #tpu.memory_space<vmem>>, vector<128x256xf32>
    %dot_general3A = arith.constant dense<0.000000e+00> : vector<512x256xf32>
    %dot_general3A_16 = tpu.matmul %mul3A_12, %get3A_15, %dot_general3A {dimension_numbers = #tpu.dot_dimension_numbers<[1], [0], [0], [1], [0, 0, 1, 1], [], []>, precision = #tpu.contract_precision<fp32>, transpose_lhs_hint = false} : vector<512x128xf32>, vector<128x256xf32>, vector<512x256xf32> -> vector<512x256xf32>
    %get3A_17 = arith.constant 0 : index
    %get3A_18 = arith.constant 0 : index
    %get3A_19 = vector.load %arg6[%get3A_17, %get3A_18] : memref<1x256xf32, #tpu.memory_space<vmem>>, vector<1x256xf32>
    %add3A_20 = vector.broadcast %get3A_19 : vector<1x256xf32> to vector<512x256xf32>
    %add3A_21 = arith.addf %dot_general3A_16, %add3A_20 : vector<512x256xf32>
    %swap3A = arith.constant 0 : index
    %swap3A_22 = arith.constant 0 : index
    %swap3A_23 = vector.load %arg7[%swap3A, %swap3A_22] : memref<512x256xf32, #tpu.memory_space<vmem>>, vector<512x256xf32>
    tpu.vector_store %arg7[%swap3A, %swap3A_22], %add3A_21 {strides = array<i32>} : memref<512x256xf32, #tpu.memory_space<vmem>>, vector<512x256xf32>,
    %mul3A_24 = arith.constant 512 : i32
    %mul3A_25 = arith.muli %arg0, %mul3A_24 : i32
    %iota3A = tpu.iota {dimensions = array<i32: 0>} : vector<512x1xi32>
    %add3A_26 = vector.broadcast %mul3A_25 : i32 to vector<512x1xi32>
    %add3A_27 = arith.addi %add3A_26, %iota3A : vector<512x1xi32>
    %lt3A = arith.constant 10000 : i32
    %lt3A_28 = vector.broadcast %lt3A : i32 to vector<512x1xi32>
    %lt3A_29 = arith.cmpi slt, %add3A_27, %lt3A_28 : vector<512x1xi32>
    %jit3A = arith.constant 0.000000e+00 : f32
    %broadcast_in_dim3A = vector.shape_cast %lt3A_29 : vector<512x1xi1> to vector<512x1xi1>
    %broadcast_in_dim3A_30 = vector.broadcast %broadcast_in_dim3A : vector<512x1xi1> to vector<512x256xi1>
    %broadcast_in_dim3A_31 = vector.broadcast %jit3A : f32 to vector<512x256xf32>
    %select_n3A = arith.select %broadcast_in_dim3A_30, %add3A_21, %broadcast_in_dim3A_31 : vector<512x256xi1>, vector<512x256xf32>
    %reduce_sum3A = arith.constant dense<0.000000e+00> : vector<256xf32>
    %reduce_sum3A_32 = vector.multi_reduction <add>, %select_n3A, %reduce_sum3A [0] : vector<512x256xf32> to vector<256xf32>
    %broadcast_in_dim3A_33 = vector.shape_cast %reduce_sum3A_32 : vector<256xf32> to vector<1x256xf32>
    %mul3A_34 = arith.mulf %select_n3A, %select_n3A : vector<512x256xf32>
    %reduce_sum3A_35 = arith.constant dense<0.000000e+00> : vector<256xf32>
    %reduce_sum3A_36 = vector.multi_reduction <add>, %mul3A_34, %reduce_sum3A_35 [0] : vector<512x256xf32> to vector<256xf32>
    %broadcast_in_dim3A_37 = vector.shape_cast %reduce_sum3A_36 : vector<256xf32> to vector<1x256xf32>
    %concatenate3A = tpu.concatenate %broadcast_in_dim3A_33, %broadcast_in_dim3A_37 in 0 : vector<1x256xf32>, vector<1x256xf32> -> vector<2x256xf32>
    %eq3A = arith.constant 0 : i32
    %eq3A_38 = arith.cmpi eq, %arg0, %eq3A : i32
    %convert_element_type3A = arith.extui %eq3A_38 : i1 to i32
    %cond3A = arith.constant 0 : i32
    %cond3A_39 = arith.cmpi ne, %convert_element_type3A, %cond3A : i32
    scf.if %cond3A_39 {
      %swap3A_44 = arith.constant 0 : index
      %swap3A_45 = arith.constant 0 : index
      %swap3A_46 = vector.load %arg8[%swap3A_44, %swap3A_45] : memref<2x256xf32, #tpu.memory_space<vmem>>, vector<2x256xf32>
      tpu.vector_store %arg8[%swap3A_44, %swap3A_45], %concatenate3A {strides = array<i32>} : memref<2x256xf32, #tpu.memory_space<vmem>>, vector<2x256xf32>,
    } else {
    }
    %gt3A = arith.constant 0 : i32
    %gt3A_40 = arith.cmpi sgt, %arg0, %gt3A : i32
    %convert_element_type3A_41 = arith.extui %gt3A_40 : i1 to i32
    %cond3A_42 = arith.constant 0 : i32
    %cond3A_43 = arith.cmpi ne, %convert_element_type3A_41, %cond3A_42 : i32
    scf.if %cond3A_43 {
      %get3A_44 = arith.constant 0 : index
      %get3A_45 = arith.constant 0 : index
      %get3A_46 = vector.load %arg8[%get3A_44, %get3A_45] : memref<2x256xf32, #tpu.memory_space<vmem>>, vector<2x256xf32>
      %add3A_47 = arith.addf %get3A_46, %concatenate3A : vector<2x256xf32>
      %swap3A_48 = arith.constant 0 : index
      %swap3A_49 = arith.constant 0 : index
      %swap3A_50 = vector.load %arg8[%swap3A_48, %swap3A_49] : memref<2x256xf32, #tpu.memory_space<vmem>>, vector<2x256xf32>
      tpu.vector_store %arg8[%swap3A_48, %swap3A_49], %add3A_47 {strides = array<i32>} : memref<2x256xf32, #tpu.memory_space<vmem>>, vector<2x256xf32>,
    } else {
    }
    return
  }
  func.func @transform_0(%arg0: i32) -> (i32, i32) {
    %c0_i32 = arith.constant 0 : i32
    %c0_i32_0 = arith.constant 0 : i32
    return %arg0, %c0_i32 : i32, i32
  }
  func.func @transform_1(%arg0: i32) -> (i32, i32) {
    %c0_i32 = arith.constant 0 : i32
    %c0_i32_0 = arith.constant 0 : i32
    return %arg0, %c0_i32 : i32, i32
  }
  func.func @transform_2(%arg0: i32) -> (i32, i32) {
    %c0_i32 = arith.constant 0 : i32
    %c0_i32_0 = arith.constant 0 : i32
    return %arg0, %c0_i32 : i32, i32
  }
  func.func @transform_3(%arg0: i32) -> (i32, i32) {
    %c0_i32 = arith.constant 0 : i32
    %c0_i32_0 = arith.constant 0 : i32
    return %arg0, %c0_i32 : i32, i32
  }
  func.func @transform_4(%arg0: i32) -> (i32, i32) {
    %c0_i32 = arith.constant 0 : i32
    %c0_i32_0 = arith.constant 0 : i32
    %c0_i32_1 = arith.constant 0 : i32
    return %c0_i32, %c0_i32_0 : i32, i32
  }
  func.func @transform_5(%arg0: i32) -> (i32, i32) {
    %c0_i32 = arith.constant 0 : i32
    %c0_i32_0 = arith.constant 0 : i32
    %c0_i32_1 = arith.constant 0 : i32
    return %c0_i32, %c0_i32_0 : i32, i32
  }
  func.func @transform_6(%arg0: i32) -> (i32, i32) {
    %c0_i32 = arith.constant 0 : i32
    %c0_i32_0 = arith.constant 0 : i32
    return %arg0, %c0_i32 : i32, i32
  }
  func.func @transform_7(%arg0: i32) -> (i32, i32) {
    %c0_i32 = arith.constant 0 : i32
    %c0_i32_0 = arith.constant 0 : i32
    %c0_i32_1 = arith.constant 0 : i32
    return %c0_i32, %c0_i32_0 : i32, i32
  }
}

module attributes {stable_mosaic.version = 14 : i64} {
  func.func @_l2_body(%arg0: i32, %arg1: memref<512x256xf32, #tpu.memory_space<vmem>>, %arg2: memref<2x256xf32, #tpu.memory_space<vmem>>, %arg3: memref<1x256xf32, #tpu.memory_space<vmem>>, %arg4: memref<1x256xf32, #tpu.memory_space<vmem>>, %arg5: memref<512x1xf32, #tpu.memory_space<vmem>>, %arg6: memref<256x128xf32, #tpu.memory_space<vmem>>, %arg7: memref<512x128xf32, #tpu.memory_space<vmem>>) attributes {dimension_semantics = [#tpu.dimension_semantics<arbitrary>], iteration_bounds = array<i64: 20>, scalar_prefetch = 0 : i64, scratch_operands = 0 : i64, tpu.core_type = #tpu.core_type<tc>, window_params = [{transform_indices = @transform_0, window_bounds = array<i64: 512, 256>}, {pipeline_mode = #tpu.pipeline_mode<synchronous>, transform_indices = @transform_1, window_bounds = array<i64: 2, 256>}, {pipeline_mode = #tpu.pipeline_mode<synchronous>, transform_indices = @transform_2, window_bounds = array<i64: 1, 256>}, {pipeline_mode = #tpu.pipeline_mode<synchronous>, transform_indices = @transform_3, window_bounds = array<i64: 1, 256>}, {transform_indices = @transform_4, window_bounds = array<i64: 512, 1>}, {pipeline_mode = #tpu.pipeline_mode<synchronous>, transform_indices = @transform_5, window_bounds = array<i64: 256, 128>}, {transform_indices = @transform_6, window_bounds = array<i64: 512, 128>}]} {
    %get3A = arith.constant 0 : index
    %get3A_0 = arith.constant 0 : index
    %get3A_1 = vector.load %arg2[%get3A, %get3A_0] : memref<2x256xf32, #tpu.memory_space<vmem>>, vector<1x256xf32>
    %mul3A = arith.constant 9.99999974E-5 : f32
    %mul3A_2 = vector.broadcast %mul3A : f32 to vector<1x256xf32>
    %mul3A_3 = arith.mulf %get3A_1, %mul3A_2 : vector<1x256xf32>
    %get3A_4 = arith.constant 1 : index
    %get3A_5 = arith.constant 0 : index
    %get3A_6 = vector.load %arg2[%get3A_4, %get3A_5] : memref<2x256xf32, #tpu.memory_space<vmem>>, vector<1x256xf32>
    %mul3A_7 = arith.constant 9.99999974E-5 : f32
    %mul3A_8 = vector.broadcast %mul3A_7 : f32 to vector<1x256xf32>
    %mul3A_9 = arith.mulf %get3A_6, %mul3A_8 : vector<1x256xf32>
    %mul3A_10 = arith.mulf %mul3A_3, %mul3A_3 : vector<1x256xf32>
    %sub3A = arith.subf %mul3A_9, %mul3A_10 : vector<1x256xf32>
    %add3A = arith.constant 9.99999974E-6 : f32
    %add3A_11 = vector.broadcast %add3A : f32 to vector<1x256xf32>
    %add3A_12 = arith.addf %sub3A, %add3A_11 : vector<1x256xf32>
    %rsqrt3A = math.rsqrt %add3A_12 : vector<1x256xf32>
    %get3A_13 = arith.constant 0 : index
    %get3A_14 = arith.constant 0 : index
    %get3A_15 = vector.load %arg3[%get3A_13, %get3A_14] : memref<1x256xf32, #tpu.memory_space<vmem>>, vector<1x256xf32>
    %mul3A_16 = arith.mulf %rsqrt3A, %get3A_15 : vector<1x256xf32>
    %get3A_17 = arith.constant 0 : index
    %get3A_18 = arith.constant 0 : index
    %get3A_19 = vector.load %arg1[%get3A_17, %get3A_18] : memref<512x256xf32, #tpu.memory_space<vmem>>, vector<512x256xf32>
    %sub3A_20 = vector.broadcast %mul3A_3 : vector<1x256xf32> to vector<512x256xf32>
    %sub3A_21 = arith.subf %get3A_19, %sub3A_20 : vector<512x256xf32>
    %mul3A_22 = vector.broadcast %mul3A_16 : vector<1x256xf32> to vector<512x256xf32>
    %mul3A_23 = arith.mulf %sub3A_21, %mul3A_22 : vector<512x256xf32>
    %get3A_24 = arith.constant 0 : index
    %get3A_25 = arith.constant 0 : index
    %get3A_26 = vector.load %arg4[%get3A_24, %get3A_25] : memref<1x256xf32, #tpu.memory_space<vmem>>, vector<1x256xf32>
    %add3A_27 = vector.broadcast %get3A_26 : vector<1x256xf32> to vector<512x256xf32>
    %add3A_28 = arith.addf %mul3A_23, %add3A_27 : vector<512x256xf32>
    %max3A = arith.constant 0.000000e+00 : f32
    %max3A_29 = vector.broadcast %max3A : f32 to vector<512x256xf32>
    %max3A_30 = arith.maximumf %add3A_28, %max3A_29 : vector<512x256xf32>
    %get3A_31 = arith.constant 0 : index
    %get3A_32 = arith.constant 0 : index
    %get3A_33 = vector.load %arg5[%get3A_31, %get3A_32] : memref<512x1xf32, #tpu.memory_space<vmem>>, vector<512x1xf32>
    %get3A_34 = arith.constant 0 : index
    %get3A_35 = arith.constant 0 : index
    %get3A_36 = vector.load %arg6[%get3A_34, %get3A_35] : memref<256x128xf32, #tpu.memory_space<vmem>>, vector<256x128xf32>
    %dot_general3A = arith.constant dense<0.000000e+00> : vector<512x128xf32>
    %dot_general3A_37 = tpu.matmul %max3A_30, %get3A_36, %dot_general3A {dimension_numbers = #tpu.dot_dimension_numbers<[1], [0], [0], [1], [0, 0, 1, 1], [], []>, precision = #tpu.contract_precision<fp32>, transpose_lhs_hint = false} : vector<512x256xf32>, vector<256x128xf32>, vector<512x128xf32> -> vector<512x128xf32>
    %mul3A_38 = vector.broadcast %get3A_33 : vector<512x1xf32> to vector<512x128xf32>
    %mul3A_39 = arith.mulf %mul3A_38, %dot_general3A_37 : vector<512x128xf32>
    %swap3A = arith.constant 0 : index
    %swap3A_40 = arith.constant 0 : index
    %swap3A_41 = vector.load %arg7[%swap3A, %swap3A_40] : memref<512x128xf32, #tpu.memory_space<vmem>>, vector<512x128xf32>
    tpu.vector_store %arg7[%swap3A, %swap3A_40], %mul3A_39 {strides = array<i32>} : memref<512x128xf32, #tpu.memory_space<vmem>>, vector<512x128xf32>,
    return
  }
  func.func @transform_0(%arg0: i32) -> (i32, i32) {
    %c0_i32 = arith.constant 0 : i32
    %c0_i32_0 = arith.constant 0 : i32
    return %arg0, %c0_i32 : i32, i32
  }
  func.func @transform_1(%arg0: i32) -> (i32, i32) {
    %c0_i32 = arith.constant 0 : i32
    %c0_i32_0 = arith.constant 0 : i32
    %c0_i32_1 = arith.constant 0 : i32
    return %c0_i32, %c0_i32_0 : i32, i32
  }
  func.func @transform_2(%arg0: i32) -> (i32, i32) {
    %c0_i32 = arith.constant 0 : i32
    %c0_i32_0 = arith.constant 0 : i32
    %c0_i32_1 = arith.constant 0 : i32
    return %c0_i32, %c0_i32_0 : i32, i32
  }
  func.func @transform_3(%arg0: i32) -> (i32, i32) {
    %c0_i32 = arith.constant 0 : i32
    %c0_i32_0 = arith.constant 0 : i32
    %c0_i32_1 = arith.constant 0 : i32
    return %c0_i32, %c0_i32_0 : i32, i32
  }
  func.func @transform_4(%arg0: i32) -> (i32, i32) {
    %c0_i32 = arith.constant 0 : i32
    %c0_i32_0 = arith.constant 0 : i32
    return %arg0, %c0_i32 : i32, i32
  }
  func.func @transform_5(%arg0: i32) -> (i32, i32) {
    %c0_i32 = arith.constant 0 : i32
    %c0_i32_0 = arith.constant 0 : i32
    %c0_i32_1 = arith.constant 0 : i32
    return %c0_i32, %c0_i32_0 : i32, i32
  }
  func.func @transform_6(%arg0: i32) -> (i32, i32) {
    %c0_i32 = arith.constant 0 : i32
    %c0_i32_0 = arith.constant 0 : i32
    return %arg0, %c0_i32 : i32, i32
  }
}

module attributes {stable_mosaic.version = 14 : i64} {
  func.func @_fin_body(%arg0: i32, %arg1: memref<512x128xf32, #tpu.memory_space<vmem>>, %arg2: memref<512x128xf32, #tpu.memory_space<vmem>>, %arg3: memref<512x128xf32, #tpu.memory_space<vmem>>, %arg4: memref<512x1xf32, #tpu.memory_space<vmem>>, %arg5: memref<1x128xf32, #tpu.memory_space<vmem>>, %arg6: memref<512x128xf32, #tpu.memory_space<vmem>>) attributes {dimension_semantics = [#tpu.dimension_semantics<arbitrary>], iteration_bounds = array<i64: 20>, scalar_prefetch = 0 : i64, scratch_operands = 0 : i64, tpu.core_type = #tpu.core_type<tc>, window_params = [{transform_indices = @transform_0, window_bounds = array<i64: 512, 128>}, {transform_indices = @transform_1, window_bounds = array<i64: 512, 128>}, {transform_indices = @transform_2, window_bounds = array<i64: 512, 128>}, {transform_indices = @transform_3, window_bounds = array<i64: 512, 1>}, {pipeline_mode = #tpu.pipeline_mode<synchronous>, transform_indices = @transform_4, window_bounds = array<i64: 1, 128>}, {transform_indices = @transform_5, window_bounds = array<i64: 512, 128>}]} {
    %get3A = arith.constant 0 : index
    %get3A_0 = arith.constant 0 : index
    %get3A_1 = vector.load %arg4[%get3A, %get3A_0] : memref<512x1xf32, #tpu.memory_space<vmem>>, vector<512x1xf32>
    %get3A_2 = arith.constant 0 : index
    %get3A_3 = arith.constant 0 : index
    %get3A_4 = vector.load %arg1[%get3A_2, %get3A_3] : memref<512x128xf32, #tpu.memory_space<vmem>>, vector<512x128xf32>
    %get3A_5 = arith.constant 0 : index
    %get3A_6 = arith.constant 0 : index
    %get3A_7 = vector.load %arg2[%get3A_5, %get3A_6] : memref<512x128xf32, #tpu.memory_space<vmem>>, vector<512x128xf32>
    %add3A = arith.addf %get3A_4, %get3A_7 : vector<512x128xf32>
    %get3A_8 = arith.constant 0 : index
    %get3A_9 = arith.constant 0 : index
    %get3A_10 = vector.load %arg3[%get3A_8, %get3A_9] : memref<512x128xf32, #tpu.memory_space<vmem>>, vector<512x128xf32>
    %add3A_11 = arith.addf %add3A, %get3A_10 : vector<512x128xf32>
    %mul3A = vector.broadcast %get3A_1 : vector<512x1xf32> to vector<512x128xf32>
    %mul3A_12 = arith.mulf %mul3A, %add3A_11 : vector<512x128xf32>
    %get3A_13 = arith.constant 0 : index
    %get3A_14 = arith.constant 0 : index
    %get3A_15 = vector.load %arg5[%get3A_13, %get3A_14] : memref<1x128xf32, #tpu.memory_space<vmem>>, vector<1x128xf32>
    %add3A_16 = vector.broadcast %get3A_15 : vector<1x128xf32> to vector<512x128xf32>
    %add3A_17 = arith.addf %mul3A_12, %add3A_16 : vector<512x128xf32>
    %swap3A = arith.constant 0 : index
    %swap3A_18 = arith.constant 0 : index
    %swap3A_19 = vector.load %arg6[%swap3A, %swap3A_18] : memref<512x128xf32, #tpu.memory_space<vmem>>, vector<512x128xf32>
    tpu.vector_store %arg6[%swap3A, %swap3A_18], %add3A_17 {strides = array<i32>} : memref<512x128xf32, #tpu.memory_space<vmem>>, vector<512x128xf32>,
    return
  }
  func.func @transform_0(%arg0: i32) -> (i32, i32) {
    %c0_i32 = arith.constant 0 : i32
    %c0_i32_0 = arith.constant 0 : i32
    return %arg0, %c0_i32 : i32, i32
  }
  func.func @transform_1(%arg0: i32) -> (i32, i32) {
    %c0_i32 = arith.constant 0 : i32
    %c0_i32_0 = arith.constant 0 : i32
    return %arg0, %c0_i32 : i32, i32
  }
  func.func @transform_2(%arg0: i32) -> (i32, i32) {
    %c0_i32 = arith.constant 0 : i32
    %c0_i32_0 = arith.constant 0 : i32
    return %arg0, %c0_i32 : i32, i32
  }
  func.func @transform_3(%arg0: i32) -> (i32, i32) {
    %c0_i32 = arith.constant 0 : i32
    %c0_i32_0 = arith.constant 0 : i32
    return %arg0, %c0_i32 : i32, i32
  }
  func.func @transform_4(%arg0: i32) -> (i32, i32) {
    %c0_i32 = arith.constant 0 : i32
    %c0_i32_0 = arith.constant 0 : i32
    %c0_i32_1 = arith.constant 0 : i32
    return %c0_i32, %c0_i32_0 : i32, i32
  }
  func.func @transform_5(%arg0: i32) -> (i32, i32) {
    %c0_i32 = arith.constant 0 : i32
    %c0_i32_0 = arith.constant 0 : i32
    return %arg0, %c0_i32 : i32, i32
  }
}

</mosaic_0001>

<sc_bundles>
// kernel: kernel.12.cloned.1.call-start
scs
__scs_entry_jumppad:
0x0: {  	(pc) =	sbr.rel $0x88, $3  }
0x1: {  	(tag) =	ssettag $0x0;
	lr =	simm.s32 $0x1  }
0x2: {  	[smem:$0x3F99] =	sst lr;
	_ =	strace $0xD0000000  }
0x3: {  	_ = 	snop  }
0x4: {  	_ = 	snop  }
0x5: {  	_ = 	snop  }
0x6: {  	_ = 	snop  }
0x7: {  	_ = 	snop  }
__scs_overlays_trampoline_lowered:
0x8: {  	[smem:$0x3FA8] =	sst s0  }
0x9: {  	[smem:$0x3FA9] =	sst s1  }
0xa: {  	[smem:$0x3FAA] =	sst s2  }
0xb: {  	[smem:$0x3FAB] =	sst s3  }
0xc: {  	[smem:$0x3FAC] =	sst s4  }
0xd: {  	[smem:$0x3FAD] =	sst s5  }
0xe: {  	[smem:$0x3FAE] =	sst s6  }
0xf: {  	[smem:$0x3FAF] =	sst s7  }
0x10: {  	[smem:$0x3FB0] =	sst s8  }
0x11: {  	[smem:$0x3FB1] =	sst s9;
	s0 =	simm.s32 @!p0 $0x0  }
0x12: {  	s1 =	sld [smem:$0x3F97];
	s0 =	simm.s32 @p0 $0x1  }
0x13: {  	[smem:$0x3FB2] =	sst s0;
	s0 =	simm.s32 @!p1 $0x0  }
0x14: {  	s2 =	sld [smem:$0x3F96];
	s0 =	simm.s32 @p1 $0x1  }
0x15: {  	[smem:$0x3FB3] =	sst s0;
	s0 =	simm.s32 @!p2 $0x0  }
0x16: {  	s3 =	sld [smem:$0x3FDB];
	s0 =	simm.s32 @p2 $0x1  }
0x17: {  	s4 =	simm.s32 $0x1BF5;
	[smem:$0x3FB5] =	sst s0  }
0x18: {  	s0 =	sld [smem:$0x3F98];
	_ =	swait.ge [sflag:s4], $0x0  }
0x19: {  	s7 =	sld [smem:$0x3F99]  }
0x1a: {  	s8 =	sadd.s32 $0xFFFFE003, lr  }
0x1b: {  	s9 =	sadd.s32 $0xFFFFFEF7, lr;
	s5 =	simm.s32 $0xFFFFFFFF;
	p2 =	slt.u32 s8, $0xFFFFF086  }
0x1c: {  	p1 =	slt.u32 s9, $0xF7A;
	s5 =	simm.s32 @!p2 $0x0  }
0x1d: {  	s5 =	simm.s32 @p1 $0x1;
	p0 =	seq.s32 s7, s2  }
0x1e: {  	s7 =	smul.u32 @!p0 $0xF7A, s2;
	p2 =	seq.s32 @!p0 s5, $0x0  }
0x1f: {  	s9 =	smul.u32 $0xF7A, s1;
	s8 =	simm.s32 @!p0 $0x1BF5;
	p2 =	por !p2, p0  }
0x20: {  	[sflag:s8] =	ssyncset.s32 @!p0 $0xFFFFF086;
	s6 =	sadd.s32 @!p0 s3, s7;
	s7 =	simm.s32 @!p0 $0x108  }
0x21: {  	s3 =	sadd.s32 s3, s9;
	s6 =	sadd.s32 @!p0 $0x88, s6;
	s7 =	simm.s32 @p2 $0x1082  }
0x22: {  	[simem:s7], [sflag:s8] =	dma.local @!p0 [hbm:s6], $0xF7A  }
0x23: {  	s9 =	sor.u32 $0xD0000000, s2;
	s6 =	simm.s32 $0x108;
	_ =	swait.ge @!p0 [sflag:s8], $0x0  }
0x24: {  	s3 =	sadd.s32 $0x88, s3;
	s6 =	simm.s32 @!p1 $0x1082;
	[sflag:s4] =	ssyncset.s32 $0xFFFFF086  }
0x25: {  	[simem:s6], [sflag:s4] =	dma.local [hbm:s3], $0xF7A  }
0x26: {  	[smem:$0x3F99] =	sst s1;
	(tag) =	ssettag s2;
	_ =	strace s9  }
0x27: {  	s1 =	sld [smem:$0x3FA9]  }
0x28: {  	s2 =	sld [smem:$0x3FAA]  }
0x29: {  	s4 =	sld [smem:$0x3FAC]  }
0x2a: {  	p0 =	seq.s32 s5, $0x0;
	s5 =	sld [smem:$0x3FAD]  }
0x2b: {  	s6 =	sld [smem:$0x3FAE]  }
0x2c: {  	s7 =	sld [smem:$0x3FAF]  }
0x2d: {  	s3 =	simm.s32 $0x108;
	s8 =	sld [smem:$0x3FB0]  }
0x2e: {  	s3 =	simm.s32 @!p0 $0x1082;
	s9 =	sld [smem:$0x3FB1]  }
0x2f: {  	lr =	sadd.s32 s0, s3;
	s0 =	sld [smem:$0x3FA8]  }
0x30: {  	s3 =	sld [smem:$0x3FAB]  }
0x31: {  	[smem:$0x3FB4] =	sst s10  }
0x32: {  	s10 =	sld [smem:$0x3FB2];
	_ =	sdelay $0x3  }
0x33: {  	p0 =	seq.s32 s10, $0x1;
	s10 =	sld [smem:$0x3FB4];
	_ =	sdelay $0x3  }
0x34: {  	[smem:$0x3FB4] =	sst s10  }
0x35: {  	s10 =	sld [smem:$0x3FB3];
	_ =	sdelay $0x3  }
0x36: {  	p1 =	seq.s32 s10, $0x1;
	s10 =	sld [smem:$0x3FB4];
	_ =	sdelay $0x3  }
0x37: {  	[smem:$0x3FB4] =	sst s10  }
0x38: {  	s10 =	sld [smem:$0x3FB5]  }
0x39: {  	_ = 	snop;
	(pc) =	sbr.ind lr, $3  }
0x3a: {  	_ = 	snop  }
0x3b: {  	_ = 	snop  }
0x3c: {  	p2 =	seq.s32 s10, $0x1;
	s10 =	sld [smem:$0x3FB4]  }
0x3d: {  	_ =	shalt  }
0x3e: {  	_ =	shalt  }
0x3f: {  	_ =	shalt  }
0x40: {  	_ =	shalt  }
0x41: {  	_ =	shalt  }
0x42: {  	_ =	shalt  }
0x43: {  	_ =	shalt  }
0x44: {  	_ =	shalt  }
0x45: {  	_ =	shalt  }
0x46: {  	_ =	shalt  }
0x47: {  	_ =	shalt  }
0x48: {  	_ =	shalt  }
0x49: {  	_ =	shalt  }
0x4a: {  	_ =	shalt  }
0x4b: {  	_ =	shalt  }
0x4c: {  	_ =	shalt  }
0x4d: {  	_ =	shalt  }
0x4e: {  	_ =	shalt  }
0x4f: {  	_ =	shalt  }
0x50: {  	_ =	shalt  }
0x51: {  	_ =	shalt  }
0x52: {  	_ =	shalt  }
0x53: {  	_ =	shalt  }
0x54: {  	_ =	shalt  }
0x55: {  	_ =	shalt  }
0x56: {  	_ =	shalt  }
0x57: {  	_ =	shalt  }
0x58: {  	_ =	shalt  }
0x59: {  	_ =	shalt  }
0x5a: {  	_ =	shalt  }
0x5b: {  	_ =	shalt  }
0x5c: {  	_ =	shalt  }
0x5d: {  	_ =	shalt  }
0x5e: {  	_ =	shalt  }
0x5f: {  	_ =	shalt  }
0x60: {  	_ =	shalt  }
0x61: {  	_ =	shalt  }
0x62: {  	_ =	shalt  }
0x63: {  	_ =	shalt  }
0x64: {  	_ =	shalt  }
0x65: {  	_ =	shalt  }
0x66: {  	_ =	shalt  }
0x67: {  	_ =	shalt  }
0x68: {  	_ =	shalt  }
0x69: {  	_ =	shalt  }
0x6a: {  	_ =	shalt  }
0x6b: {  	_ =	shalt  }
0x6c: {  	_ =	shalt  }
0x6d: {  	_ =	shalt  }
0x6e: {  	_ =	shalt  }
0x6f: {  	_ =	shalt  }
0x70: {  	_ =	shalt  }
0x71: {  	_ =	shalt  }
0x72: {  	_ =	shalt  }
0x73: {  	_ =	shalt  }
0x74: {  	_ =	shalt  }
0x75: {  	_ =	shalt  }
0x76: {  	_ =	shalt  }
0x77: {  	_ =	shalt  }
0x78: {  	_ =	shalt  }
0x79: {  	_ =	shalt  }
0x7a: {  	_ =	shalt  }
0x7b: {  	_ =	shalt  }
0x7c: {  	_ =	shalt  }
0x7d: {  	_ =	shalt  }
0x7e: {  	_ =	shalt  }
0x7f: {  	_ =	shalt  }
0x80: {  	_ =	shalt  }
0x81: {  	_ =	shalt  }
0x82: {  	_ =	shalt  }
0x83: {  	_ =	shalt  }
0x84: {  	_ =	shalt  }
0x85: {  	_ =	shalt  }
0x86: {  	_ =	shalt  }
0x87: {  	_ =	shalt  }
.Lfunc_end0:
.L_simem_size_0:
called_computation.1_lowered:
.L_overlay_start_0:
0x88: {  	s2 =	sld [smem:$0x3FD9]  }
0x89: {  	s3 =	sld [smem:$0x3FFE];
	_ =	sdelay $0x1  }
0x8a: {  	s1 =	srdreg.scid  }
0x8b: {  	s0 =	sand.u32 $0x1, s1  }
0x8c: {  	s17 =	sshll.u32 s0, $0xA;
	s2 =	sadd.s32 s3, s2  }
0x8d: {  	s2 =	sadd.s32 s2, s17  }
0x8e: {  	[smem:$0x3FC0] =	sst s2  }
0x8f: {  	_ = 	snop  }
0x90: {  	s2 =	sld [smem:$0x3FD0];
	(tm) =	ssettm $0x1  }
0x91: {  	s18 =	sld [smem:$0x3FFB];
	_ =	sdelay $0x3  }
0x92: {  	_ =	strace s18  }
0x93: {  	s3 =	sld [smem:$0x3FFC];
	_ =	sdelay $0x3  }
0x94: {  	_ =	strace s3  }
0x95: {  	s3 =	sld [smem:$0x3FFD];
	_ =	sdelay $0x3  }
0x96: {  	_ =	strace s3  }
0x97: {  	_ =	strace $0x8FFFFFFF  }
0x98: {  	s19 =	sld [smem:$0x3FDB];
	_ =	sdelay $0x1  }
0x99: {  	s4 =	simm.s32 $_scs_section_size  }
0x9a: {  	s5 =	simm.s32 $_size__tile_overlayer_lowered;
	s6 =	simm.s32 $_tile_overlayer_lowered  }
0x9b: {  	s22 =	simm.s32 $0x1BFF;
	s21 =	sshll.u32 s6, $0x1;
	s3 =	sadd.s32 s4, s19  }
0x9c: {  	s7 =	simm.s32 $0x0;
	s20 =	sshll.u32 s5, $0x1;
	s5 =	sadd.s32 s21, s3  }
0x9d: {  	[timem:s7], [sflag:s22] =	dma.local [hbm:s5], s20  }
0x9e: {  	_ =	swait.ge [sflag:s22], s20  }
0x9f: {  	s4 =	ssub.s32 $0x0, s20;
	[sflag:s22] =	ssyncset.done $0x0  }
0xa0: {  	[sflag:s22] =	ssyncadd.s32 s4;
	_ =	sdelay $0x1  }
0xa1: {  	s23 =	simm.s32 $0x1B8B  }
0xa2: {  	_ =	swait.ge [sflag:s23], $0x1  }
0xa3: {  	[sflag:s23] =	ssyncset.done $0x0  }
0xa4: {  	s25 =	simm.s32 $0x1B8E;
	s24 =	sld [smem:$0x3FFE];
	[sflag:s23] =	ssyncadd.s32 $0xFFFFFFFF  }
0xa5: {  	s26 =	simm.s32 $execute0_lowered;
	[smem:$0x3FD2] =	sst s25  }
0xa6: {  	s5 =	sshll.u32 s26, $0x1;
	_ =	strace $0x80000049;
	[dreg:$0x1] =	wrdreg $0xFFFFFFFF  }
0xa7: {  	s28 =	simm.s32 $_size_execute0_lowered;
	s3 =	sadd.s32 s3, s5;
	[dreg:$0x0] =	wrdreg $0x0  }
0xa8: {  	s5 =	sshll.u32 s28, $0x1;
	[dreg:$0x2] =	wrdreg s3  }
0xa9: {  	[dreg:$0x3] =	wrdreg s5  }
0xaa: {  	[dreg:$0x4] =	wrdreg $0xC0  }
0xab: {  	_ =	task [dreg:s7], $0x5FFFF  }
0xac: {  	[dreg:$0x1] =	wrdreg $0xFFFFFFFF  }
0xad: {  	[dreg:$0x0] =	wrdreg $0x60  }
0xae: {  	[dreg:$0x2] =	wrdreg s24  }
0xaf: {  	[dreg:$0x3] =	wrdreg s2  }
0xb0: {  	[dreg:$0x4] =	wrdreg $0xA8000  }
0xb1: {  	[dreg:$0x5] =	wrdreg $0x9  }
0xb2: {  	_ =	task.clear_ibuf [dreg:s7], $0x6FFFF;
	_ =	strace $0x90000049  }
0xb3: {  	s29 =	simm.s32 $0x9;
	_ =	strace $0x8000004B  }
0xb4: {  	_ =	swait.ge [sflag:s29], $0x1  }
0xb5: {  	[sflag:s29] =	ssyncadd.s32 $0xFFFFFFFF  }
0xb6: {  	_ =	strace $0x9000004B  }
0xb7: {  	_ =	sfence  }
0xb8: {  	s30 =	sld [smem:$0x0];
	_ =	sdelay $0x2  }
0xb9: {  	s31 =	sshll.u32 s1, $0xD;
	s1 =	sshrl.u32 s1, $0x2  }
0xba: {  	s3 =	sand.u32 $0x4000, s31;
	s1 =	sadd.s32 s1, s30  }
0xbb: {  	s0 =	sor.u32 s3, s0;
	s1 =	sshll.u32 s1, $0x11  }
0xbc: {  	s0 =	sor.u32 s1, s0  }
0xbd: {  	s0 =	sadd.s32 $0x8F2B, s0  }
0xbe: {  	[sflag:s0] =	ssyncadd.remote.s32 $0x1  }
0xbf: {  	_ =	sfence.sel $0xFFFF  }
0xc0: {  	[dreg:$0x0] =	wrdreg $0xFFFFFFFF;
	(pc) =	sbr.abs _section_cstart, $3  }
0xc1: {  	[dreg:$0x1] =	wrdreg $0xFFFFFFFF  }
0xc2: {  	_ =	task.clear_ibuf [dreg:s7], $0x2FFFF;
	_ =	strace $0x9FFFFFFF  }
0xc3: {  	(tm) =	ssettm $0x7FFFFFFF  }
tec
execute0_lowered:
.L_overlay_start_1:
0x0: {  	(tag) =	ssettag $0x1  }
0x1: {  	s7 =	rddreg [dreg:$0x0]  }
0x2: {  	s2 =	rddreg [dreg:$0x1]  }
0x3: {  	s3 =	rddreg [dreg:$0x2]  }
0x4: {  	s0 =	rddreg [dreg:$0x3]  }
0x5: {  	s1 =	stileid.u32;
	s5 =	srdreg.scid;
	s4 =	simm.s32 $0x0  }
0x6: {  	s16 =	simm.s32 $0x1400;
	s17 =	simm.s32 $0x80;
	s18 =	simm.s32 $0x2800  }
0x7: {  	s19 =	simm.s32 $0x1;
	s20 =	simm.s32 $0x6800;
	s21 =	simm.s32 $0x2  }
0x8: {  	s22 =	simm.s32 $0x1380;
	s23 =	simm.s32 $0x2700;
	s8 =	smul.u32 $0x14000, s1  }
0x9: {  	s24 =	simm.s32 $0x2780;
	s9 =	sand.u32 $0x1, s5;
	s11 =	smul.u32 $0x50000, s1  }
0xa: {  	[smem:$0x7FF] =	sst s4;
	s5 =	sadd.s32 $0xE400, s7;
	s13 =	smul.u32 $0x5000, s1  }
0xb: {  	s6 =	sadd.s32 $0x4400, s7;
	s29 =	sshll.u32 s1, $0x6;
	s10 =	smul.u32 $0x140000, s9  }
0xc: {  	_ =	strace $0x8000004A;
	s26 =	ssub.s32 $0x2, s9;
	p0 =	seq.s32 s9, $0x1  }
0xd: {  	s9 =	sshll.u32 s1, $0x2;
	s28 =	sshrl.u32 s26, $0x1;
	s11 =	sshrl.u32 s11, $0x2  }
0xe: {  	s30 =	sshrl.u32 s13, $0x3;
	s10 =	sadd.s32 s8, s10;
	s8 =	sshrl.u32 s8, $0x3  }
.Ltmp0:
0xf: {  	s14 =	ssub.s32 s26, s28;
	s15 =	sadd.s32 s11, s3;
	(pc) =	sbr.rel .LBB2_1-.Ltmp0, $4  }
0x10: {  	s31 =	sadd.s32 $0x780, s30;
	s10 =	sshrl.u32 s10, $0x3;
	s8 =	sadd.s32 s8, s7  }
0x11: {  	s11 =	sadd.s32 s2, s31;
	s13 =	smax.u32 s14, $0x1;
	s14 =	sshrl.u32 s15, $0x3  }
0x12: {  	s15 =	simm.s32 $0x3;
	s12 =	sadd.s32 s10, s7;
	s7 =	sadd.s32 $0x5E400, s8  }
0x13: {  	s8 =	sor.u32 $0x1C03, s29;
	s10 =	sadd.s32 s6, s31;
	s12 =	sadd.s32 $0x86400, s12  }
.LBB2_8:
0x14: {  	s4 =	sadd.s32 $0x1, s4  }
0x15: {  	p1 =	sne.s32 s4, s13  }
.Ltmp1:
0x16: {  	[bflag:$0x0] =	sbarrier.arrive $0xFFFF;
	(pc) =	sbr.rel @!p1 .LBB2_9-.Ltmp1, $4  }
0x17: {  	[hbm:s12], [sflag:s8] =	dma.local [spmem:s14], $0x2800  }
0x18: {  	_ =	swait.ge [sflag:s15], $0x2800  }
0x19: {  	[sflag:s15] =	ssyncset.done $0x0  }
0x1a: {  	[sflag:s15] =	ssyncadd.s32 $0xFFFFD800  }
.LBB2_1:
0x1b: {  	[spmem:s14], [sflag:s8] =	dma.local [hbm:s7], $0x2800  }
.Ltmp2:
0x1c: {  	_ =	swait.ge [sflag:s15], $0x2800;
	(pc) =	sbr.rel @!p0 .LBB2_2-.Ltmp2, $4  }
0x1d: {  	[sflag:s15] =	ssyncset.done $0x0  }
0x1e: {  	[sflag:s15] =	ssyncadd.s32 $0xFFFFD800  }
0x1f: {  	[bflag:$0x0] =	sbarrier.arrive $0xFFFF  }
0x20: {  	s25 =	simm.s32 $0x0  }
0x21: {  	s25 =	simm.s32 $0x0  }
0x22: {  	[tilespmem:s25], [sflag:$0x3] =	stream.linear.gather [hbm4b:s10+s25], $0x1400, $0x38;
	[tilespmem:$0x1E800] =	vst v63  }
0x23: {  	_ =	swait.ge [sflag:s15], $0x1400  }
0x24: {  	[sflag:s15] =	ssyncset.done $0x0  }
0x25: {  	[sflag:s15] =	ssyncadd.s32 $0xFFFFEC00  }
0x26: {  	[tilespmem:s16], [sflag:$0x3] =	stream.linear.gather [hbm4b:s11+s25], $0x1400, $0x38;
	[tilespmem:$0x1E800] =	vst v63  }
0x27: {  	_ =	swait.ge [sflag:s15], $0x1400  }
0x28: {  	[sflag:s15] =	ssyncset.done $0x0  }
0x29: {  	[sflag:s15] =	ssyncadd.s32 $0xFFFFEC00  }
0x2a: {  	[tilespmem:s18], [sflag:$0x1] =	stream.indirect.gather [hbm4b:s5+s17], $0x80, s25, s17, $0xb8;
	[tilespmem:$0x1E800] =	vst v63  }
0x2b: {  	_ =	swait.ge [sflag:s19], $0x4000  }
0x2c: {  	[sflag:s19] =	ssyncset.done $0x0  }
0x2d: {  	s28 =	simm.s32 $0x80;
	[sflag:s19] =	ssyncadd.s32 $0xFFFFC000  }
0x2e: {  	[tilespmem:s20], [sflag:$0x2] =	stream.indirect.gather [hbm4b:s5+s17], $0x80, s28, s17, $0xb8;
	[tilespmem:$0x1E800] =	vst v63  }
0x2f: {  	s29 =	simm.s32 $0x1400  }
0x30: {  	[spmem:s3] =	stream.indirect.scatter.add.f32 [tilespmem:s18], [sflag:$0x3], $0x80, s29, s17, $0xb8;
	[tilespmem:$0x1E800] =	vst v63  }
0x31: {  	_ =	swait.ge [sflag:s15], $0x4000  }
0x32: {  	[sflag:s15] =	ssyncset.done $0x0  }
0x33: {  	[sflag:s15] =	ssyncadd.s32 $0xFFFFC000  }
0x34: {  	_ =	swait.ge [sflag:s21], $0x4000  }
0x35: {  	[sflag:s21] =	ssyncset.done $0x0  }
0x36: {  	s30 =	simm.s32 $0x100;
	[sflag:s21] =	ssyncadd.s32 $0xFFFFC000  }
0x37: {  	[tilespmem:s18], [sflag:$0x1] =	stream.indirect.gather [hbm4b:s5+s17], $0x80, s30, s17, $0xb8;
	[tilespmem:$0x1E800] =	vst v63  }
0x38: {  	s31 =	simm.s32 $0x1480  }
0x39: {  	[spmem:s3] =	stream.indirect.scatter.add.f32 [tilespmem:s20], [sflag:$0x3], $0x80, s31, s17, $0xb8;
	[tilespmem:$0x1E800] =	vst v63  }
0x3a: {  	_ =	swait.ge [sflag:s15], $0x4000  }
0x3b: {  	[sflag:s15] =	ssyncset.done $0x0  }
0x3c: {  	[sflag:s15] =	ssyncadd.s32 $0xFFFFC000  }
0x3d: {  	_ =	swait.ge [sflag:s19], $0x4000  }
0x3e: {  	s26 =	simm.s32 $0x800;
	s25 =	simm.s32 $0x100;
	[sflag:s19] =	ssyncset.done $0x0  }
.LBB2_6:
0x3f: {  	s28 =	sadd.s32 $0x80, s25  }
0x40: {  	[sflag:s19] =	ssyncadd.s32 $0xFFFFC000;
	s29 =	smov.u32 s26;
	s30 =	sadd.s32 $0x400, s26  }
0x41: {  	[tilespmem:s20], [sflag:$0x2] =	stream.indirect.gather [hbm4b:s5+s17], $0x80, s28, s17, $0xb8;
	[tilespmem:$0x1E800] =	vst v63  }
0x42: {  	p1 =	sne.s32 s26, $0x4800;
	s26 =	sadd.s32 $0x1400, s25  }
0x43: {  	[spmem:s3] =	stream.indirect.scatter.add.f32 [tilespmem:s18], [sflag:$0x3], $0x80, s26, s17, $0xb8;
	[tilespmem:$0x1E800] =	vst v63  }
0x44: {  	_ =	swait.ge [sflag:s15], $0x4000  }
0x45: {  	[sflag:s15] =	ssyncset.done $0x0  }
0x46: {  	[sflag:s15] =	ssyncadd.s32 $0xFFFFC000  }
0x47: {  	_ =	swait.ge [sflag:s21], $0x4000  }
0x48: {  	[sflag:s21] =	ssyncset.done $0x0  }
0x49: {  	s26 =	sadd.s32 $0x100, s25;
	[sflag:s21] =	ssyncadd.s32 $0xFFFFC000  }
0x4a: {  	[tilespmem:s18], [sflag:$0x1] =	stream.indirect.gather [hbm4b:s5+s17], $0x80, s26, s17, $0xb8;
	[tilespmem:$0x1E800] =	vst v63  }
0x4b: {  	s25 =	sadd.s32 $0x1480, s25  }
0x4c: {  	[spmem:s3] =	stream.indirect.scatter.add.f32 [tilespmem:s20], [sflag:$0x3], $0x80, s25, s17, $0xb8;
	[tilespmem:$0x1E800] =	vst v63  }
.Ltmp3:
0x4d: {  	_ =	swait.ge [sflag:s15], $0x4000;
	(pc) =	sbr.rel @p1 .LBB2_6-.Ltmp3, $4  }
0x4e: {  	[sflag:s15] =	ssyncset.done $0x0  }
0x4f: {  	[sflag:s15] =	ssyncadd.s32 $0xFFFFC000  }
0x50: {  	_ =	swait.ge [sflag:s19], $0x4000  }
0x51: {  	s26 =	smov.u32 s30;
	s25 =	sshra.s32 s29, $0x2;
	[sflag:s19] =	ssyncset.done $0x0  }
0x52: {  	s26 =	sadd.s32 $0x80, s25;
	[sflag:s19] =	ssyncadd.s32 $0xFFFFC000  }
0x53: {  	[tilespmem:s20], [sflag:$0x2] =	stream.indirect.gather [hbm4b:s5+s17], $0x80, s26, s17, $0xb8;
	[tilespmem:$0x1E800] =	vst v63  }
0x54: {  	s29 =	sadd.s32 $0x1400, s25  }
0x55: {  	[spmem:s3] =	stream.indirect.scatter.add.f32 [tilespmem:s18], [sflag:$0x3], $0x80, s29, s17, $0xb8;
	[tilespmem:$0x1E800] =	vst v63  }
0x56: {  	_ =	swait.ge [sflag:s15], $0x4000  }
0x57: {  	[sflag:s15] =	ssyncset.done $0x0  }
0x58: {  	[sflag:s15] =	ssyncadd.s32 $0xFFFFC000  }
0x59: {  	_ =	swait.ge [sflag:s21], $0x4000  }
0x5a: {  	[sflag:s21] =	ssyncset.done $0x0  }
0x5b: {  	s30 =	sadd.s32 $0x100, s25;
	[sflag:s21] =	ssyncadd.s32 $0xFFFFC000  }
0x5c: {  	[tilespmem:s18], [sflag:$0x1] =	stream.indirect.gather [hbm4b:s5+s17], $0x80, s30, s17, $0xb8;
	[tilespmem:$0x1E800] =	vst v63  }
0x5d: {  	s31 =	sadd.s32 $0x1480, s25  }
0x5e: {  	[spmem:s3] =	stream.indirect.scatter.add.f32 [tilespmem:s20], [sflag:$0x3], $0x80, s31, s17, $0xb8;
	[tilespmem:$0x1E800] =	vst v63  }
0x5f: {  	_ =	swait.ge [sflag:s15], $0x4000  }
0x60: {  	[sflag:s15] =	ssyncset.done $0x0  }
0x61: {  	[sflag:s15] =	ssyncadd.s32 $0xFFFFC000  }
0x62: {  	_ =	swait.ge [sflag:s19], $0x4000  }
0x63: {  	[sflag:s19] =	ssyncset.done $0x0  }
0x64: {  	[sflag:s19] =	ssyncadd.s32 $0xFFFFC000  }
0x65: {  	[tilespmem:s20], [sflag:$0x2] =	stream.indirect.gather [hbm4b:s5+s17], $0x80, s22, s17, $0xb8;
	[tilespmem:$0x1E800] =	vst v63  }
0x66: {  	_ = 	snop  }
0x67: {  	[spmem:s3] =	stream.indirect.scatter.add.f32 [tilespmem:s18], [sflag:$0x3], $0x80, s23, s17, $0xb8;
	[tilespmem:$0x1E800] =	vst v63  }
0x68: {  	_ =	swait.ge [sflag:s15], $0x4000  }
0x69: {  	[sflag:s15] =	ssyncset.done $0x0  }
0x6a: {  	[sflag:s15] =	ssyncadd.s32 $0xFFFFC000  }
0x6b: {  	_ =	swait.ge [sflag:s21], $0x4000  }
0x6c: {  	[sflag:s21] =	ssyncset.done $0x0  }
.Ltmp4:
0x6d: {  	[sflag:s21] =	ssyncadd.s32 $0xFFFFC000;
	(pc) =	sbr.rel .LBB2_8-.Ltmp4, $4  }
0x6e: {  	[spmem:s3] =	stream.indirect.scatter.add.f32 [tilespmem:s20], [sflag:$0x3], $0x80, s24, s17, $0xb8;
	[tilespmem:$0x1E800] =	vst v63  }
0x6f: {  	_ =	swait.ge [sflag:s15], $0x4000  }
0x70: {  	[sflag:s15] =	ssyncset.done $0x0  }
0x71: {  	[sflag:s15] =	ssyncadd.s32 $0xFFFFC000  }
.LBB2_2:
0x72: {  	s26 =	sadd.s32 s9, s25  }
0x73: {  	s26 =	smul.u32 $0x280, s26;
	_ =	sdelay $0x1  }
0x74: {  	s29 =	simm.s32 $0x0;
	s28 =	sadd.s32 s6, s26  }
0x75: {  	[tilespmem:s29], [sflag:$0x3] =	stream.linear.gather [hbm4b:s28+s29], $0x1400, $0x38;
	[tilespmem:$0x1E800] =	vst v63  }
0x76: {  	_ =	swait.ge [sflag:s15], $0x1400  }
0x77: {  	[sflag:s15] =	ssyncset.done $0x0  }
0x78: {  	s26 =	sadd.s32 s2, s26;
	[sflag:s15] =	ssyncadd.s32 $0xFFFFEC00  }
0x79: {  	[tilespmem:s16], [sflag:$0x3] =	stream.linear.gather [hbm4b:s26+s29], $0x1400, $0x38;
	[tilespmem:$0x1E800] =	vst v63  }
0x7a: {  	_ =	swait.ge [sflag:s15], $0x1400  }
0x7b: {  	[sflag:s15] =	ssyncset.done $0x0  }
0x7c: {  	[sflag:s15] =	ssyncadd.s32 $0xFFFFEC00  }
0x7d: {  	[tilespmem:s18], [sflag:$0x1] =	stream.indirect.gather [hbm4b:s5+s17], $0x80, s29, s17, $0xb8;
	[tilespmem:$0x1E800] =	vst v63  }
0x7e: {  	_ =	swait.ge [sflag:s19], $0x4000  }
0x7f: {  	[sflag:s19] =	ssyncset.done $0x0  }
0x80: {  	s31 =	simm.s32 $0x80;
	[sflag:s19] =	ssyncadd.s32 $0xFFFFC000  }
0x81: {  	[tilespmem:s20], [sflag:$0x2] =	stream.indirect.gather [hbm4b:s5+s17], $0x80, s31, s17, $0xb8;
	[tilespmem:$0x1E800] =	vst v63  }
0x82: {  	s29 =	simm.s32 $0x1400  }
0x83: {  	[spmem:s3] =	stream.indirect.scatter.add.f32 [tilespmem:s18], [sflag:$0x3], $0x80, s29, s17, $0xb8;
	[tilespmem:$0x1E800] =	vst v63  }
0x84: {  	_ =	swait.ge [sflag:s15], $0x4000  }
0x85: {  	[sflag:s15] =	ssyncset.done $0x0  }
0x86: {  	[sflag:s15] =	ssyncadd.s32 $0xFFFFC000  }
0x87: {  	_ =	swait.ge [sflag:s21], $0x4000  }
0x88: {  	[sflag:s21] =	ssyncset.done $0x0  }
0x89: {  	s30 =	simm.s32 $0x100;
	[sflag:s21] =	ssyncadd.s32 $0xFFFFC000  }
0x8a: {  	[tilespmem:s18], [sflag:$0x1] =	stream.indirect.gather [hbm4b:s5+s17], $0x80, s30, s17, $0xb8;
	[tilespmem:$0x1E800] =	vst v63  }
0x8b: {  	s31 =	simm.s32 $0x1480  }
0x8c: {  	[spmem:s3] =	stream.indirect.scatter.add.f32 [tilespmem:s20], [sflag:$0x3], $0x80, s31, s17, $0xb8;
	[tilespmem:$0x1E800] =	vst v63  }
0x8d: {  	_ =	swait.ge [sflag:s15], $0x4000  }
0x8e: {  	[sflag:s15] =	ssyncset.done $0x0  }
0x8f: {  	[sflag:s15] =	ssyncadd.s32 $0xFFFFC000  }
0x90: {  	_ =	swait.ge [sflag:s19], $0x4000  }
0x91: {  	s28 =	simm.s32 $0x800;
	s26 =	simm.s32 $0x100;
	[sflag:s19] =	ssyncset.done $0x0  }
.LBB2_3:
0x92: {  	s29 =	sadd.s32 $0x80, s26  }
0x93: {  	[sflag:s19] =	ssyncadd.s32 $0xFFFFC000;
	s30 =	smov.u32 s28;
	s31 =	sadd.s32 $0x400, s28  }
0x94: {  	[tilespmem:s20], [sflag:$0x2] =	stream.indirect.gather [hbm4b:s5+s17], $0x80, s29, s17, $0xb8;
	[tilespmem:$0x1E800] =	vst v63  }
0x95: {  	p1 =	sne.s32 s28, $0x4800;
	s28 =	sadd.s32 $0x1400, s26  }
0x96: {  	[spmem:s3] =	stream.indirect.scatter.add.f32 [tilespmem:s18], [sflag:$0x3], $0x80, s28, s17, $0xb8;
	[tilespmem:$0x1E800] =	vst v63  }
0x97: {  	_ =	swait.ge [sflag:s15], $0x4000  }
0x98: {  	[sflag:s15] =	ssyncset.done $0x0  }
0x99: {  	[sflag:s15] =	ssyncadd.s32 $0xFFFFC000  }
0x9a: {  	_ =	swait.ge [sflag:s21], $0x4000  }
0x9b: {  	[sflag:s21] =	ssyncset.done $0x0  }
0x9c: {  	s28 =	sadd.s32 $0x100, s26;
	[sflag:s21] =	ssyncadd.s32 $0xFFFFC000  }
0x9d: {  	[tilespmem:s18], [sflag:$0x1] =	stream.indirect.gather [hbm4b:s5+s17], $0x80, s28, s17, $0xb8;
	[tilespmem:$0x1E800] =	vst v63  }
0x9e: {  	s26 =	sadd.s32 $0x1480, s26  }
0x9f: {  	[spmem:s3] =	stream.indirect.scatter.add.f32 [tilespmem:s20], [sflag:$0x3], $0x80, s26, s17, $0xb8;
	[tilespmem:$0x1E800] =	vst v63  }
.Ltmp5:
0xa0: {  	_ =	swait.ge [sflag:s15], $0x4000;
	(pc) =	sbr.rel @p1 .LBB2_3-.Ltmp5, $4  }
0xa1: {  	[sflag:s15] =	ssyncset.done $0x0  }
0xa2: {  	[sflag:s15] =	ssyncadd.s32 $0xFFFFC000  }
0xa3: {  	_ =	swait.ge [sflag:s19], $0x4000  }
0xa4: {  	s28 =	smov.u32 s31;
	s26 =	sshra.s32 s30, $0x2;
	[sflag:s19] =	ssyncset.done $0x0  }
0xa5: {  	s28 =	sadd.s32 $0x80, s26;
	[sflag:s19] =	ssyncadd.s32 $0xFFFFC000  }
0xa6: {  	[tilespmem:s20], [sflag:$0x2] =	stream.indirect.gather [hbm4b:s5+s17], $0x80, s28, s17, $0xb8;
	[tilespmem:$0x1E800] =	vst v63  }
0xa7: {  	s29 =	sadd.s32 $0x1400, s26  }
0xa8: {  	[spmem:s3] =	stream.indirect.scatter.add.f32 [tilespmem:s18], [sflag:$0x3], $0x80, s29, s17, $0xb8;
	[tilespmem:$0x1E800] =	vst v63  }
0xa9: {  	_ =	swait.ge [sflag:s15], $0x4000  }
0xaa: {  	[sflag:s15] =	ssyncset.done $0x0  }
0xab: {  	[sflag:s15] =	ssyncadd.s32 $0xFFFFC000  }
0xac: {  	_ =	swait.ge [sflag:s21], $0x4000  }
0xad: {  	[sflag:s21] =	ssyncset.done $0x0  }
0xae: {  	s30 =	sadd.s32 $0x100, s26;
	[sflag:s21] =	ssyncadd.s32 $0xFFFFC000  }
0xaf: {  	[tilespmem:s18], [sflag:$0x1] =	stream.indirect.gather [hbm4b:s5+s17], $0x80, s30, s17, $0xb8;
	[tilespmem:$0x1E800] =	vst v63  }
0xb0: {  	s31 =	sadd.s32 $0x1480, s26  }
0xb1: {  	[spmem:s3] =	stream.indirect.scatter.add.f32 [tilespmem:s20], [sflag:$0x3], $0x80, s31, s17, $0xb8;
	[tilespmem:$0x1E800] =	vst v63  }
0xb2: {  	_ =	swait.ge [sflag:s15], $0x4000  }
0xb3: {  	[sflag:s15] =	ssyncset.done $0x0  }
0xb4: {  	[sflag:s15] =	ssyncadd.s32 $0xFFFFC000  }
0xb5: {  	_ =	swait.ge [sflag:s19], $0x4000  }
0xb6: {  	[sflag:s19] =	ssyncset.done $0x0  }
0xb7: {  	[sflag:s19] =	ssyncadd.s32 $0xFFFFC000  }
0xb8: {  	[tilespmem:s20], [sflag:$0x2] =	stream.indirect.gather [hbm4b:s5+s17], $0x80, s22, s17, $0xb8;
	[tilespmem:$0x1E800] =	vst v63  }
0xb9: {  	_ = 	snop  }
0xba: {  	[spmem:s3] =	stream.indirect.scatter.add.f32 [tilespmem:s18], [sflag:$0x3], $0x80, s23, s17, $0xb8;
	[tilespmem:$0x1E800] =	vst v63  }
0xbb: {  	_ =	swait.ge [sflag:s15], $0x4000  }
0xbc: {  	[sflag:s15] =	ssyncset.done $0x0  }
0xbd: {  	[sflag:s15] =	ssyncadd.s32 $0xFFFFC000  }
0xbe: {  	_ =	swait.ge [sflag:s21], $0x4000  }
0xbf: {  	s25 =	sadd.s32 $0x1, s25;
	[sflag:s21] =	ssyncset.done $0x0  }
0xc0: {  	p1 =	seq.s32 s25, $0x3;
	[sflag:s21] =	ssyncadd.s32 $0xFFFFC000  }
0xc1: {  	[spmem:s3] =	stream.indirect.scatter.add.f32 [tilespmem:s20], [sflag:$0x3], $0x80, s24, s17, $0xb8;
	[tilespmem:$0x1E800] =	vst v63  }
.Ltmp6:
0xc2: {  	_ = 	snop;
	(pc) =	sbr.rel @!p1 .LBB2_2-.Ltmp6, $4  }
.Ltmp7:
0xc3: {  	_ = 	snop;
	(pc) =	sbr.rel @p1 .LBB2_8-.Ltmp7, $4  }
0xc4: {  	_ =	swait.ge [sflag:s15], $0x4000  }
0xc5: {  	[sflag:s15] =	ssyncset.done $0x0  }
0xc6: {  	[sflag:s15] =	ssyncadd.s32 $0xFFFFC000  }
0xc7: {  	_ = 	snop  }
.LBB2_9:
0xc8: {  	_ =	sfence.sel $0x180000  }
0xc9: {  	[bflag:$0x0] =	sbarrier.arrive $0xFFFF  }
0xca: {  	p0 =	sne.s32 s1, $0x0;
	_ =	strace $0x9000004A  }
0xcb: {  	s0 =	sadd.s32 @!p0 $0x100000, s0;
	[bflag:$0x2] =	sbarrier.arrive $0xFFFF  }
0xcc: {  	[sflag:s0] =	ssyncadd.tile.s32 @!p0 $0x1;
	_ =	shalt  }
.Lfunc_end2:
_tile_overlayer_lowered:
.L_overlay_start_2:
0xcd: {  	(tag) =	ssettag $0x2  }
0xce: {  	s0 =	rddreg [dreg:$0x0];
	s2 =	stileid.u32  }
0xcf: {  	s1 =	rddreg [dreg:$0x1];
	p0 =	sne.s32 s2, $0x0  }
0xd0: {  	s3 =	rddreg [dreg:$0x2];
	[bflag:$0x3] =	sbarrier.arrive $0xFFFF;
	s2 =	simm.s32 @!p0 $0x1C03  }
0xd1: {  	[timem:s3], [sflag:s2] =	dma.local @!p0 [hbm:s0], s1  }
0xd2: {  	s0 =	simm.s32 @!p0 $0x3  }
0xd3: {  	_ =	swait.ge @!p0 [sflag:s0], s1  }
0xd4: {  	s1 =	ssub.s32 @!p0 $0x0, s1;
	[sflag:s0] =	ssyncset.done @!p0 $0x0  }
0xd5: {  	[sflag:s0] =	ssyncadd.s32 @!p0 s1  }
0xd6: {  	[bflag:$0x3] =	sbarrier.arrive $0xFFFF  }
0xd7: {  	_ =	shalt  }

// kernel: kernel.15.cloned.1.call-start
scs
__scs_entry_jumppad:
0x0: {  	(pc) =	sbr.rel $0x88, $3  }
0x1: {  	(tag) =	ssettag $0x0;
	lr =	simm.s32 $0x1  }
0x2: {  	[smem:$0x3F99] =	sst lr;
	_ =	strace $0xD0000000  }
0x3: {  	_ = 	snop  }
0x4: {  	_ = 	snop  }
0x5: {  	_ = 	snop  }
0x6: {  	_ = 	snop  }
0x7: {  	_ = 	snop  }
__scs_overlays_trampoline_lowered:
0x8: {  	[smem:$0x3FA8] =	sst s0  }
0x9: {  	[smem:$0x3FA9] =	sst s1  }
0xa: {  	[smem:$0x3FAA] =	sst s2  }
0xb: {  	[smem:$0x3FAB] =	sst s3  }
0xc: {  	[smem:$0x3FAC] =	sst s4  }
0xd: {  	[smem:$0x3FAD] =	sst s5  }
0xe: {  	[smem:$0x3FAE] =	sst s6  }
0xf: {  	[smem:$0x3FAF] =	sst s7  }
0x10: {  	[smem:$0x3FB0] =	sst s8  }
0x11: {  	[smem:$0x3FB1] =	sst s9;
	s0 =	simm.s32 @!p0 $0x0  }
0x12: {  	s1 =	sld [smem:$0x3F97];
	s0 =	simm.s32 @p0 $0x1  }
0x13: {  	[smem:$0x3FB2] =	sst s0;
	s0 =	simm.s32 @!p1 $0x0  }
0x14: {  	s2 =	sld [smem:$0x3F96];
	s0 =	simm.s32 @p1 $0x1  }
0x15: {  	[smem:$0x3FB3] =	sst s0;
	s0 =	simm.s32 @!p2 $0x0  }
0x16: {  	s3 =	sld [smem:$0x3FDB];
	s0 =	simm.s32 @p2 $0x1  }
0x17: {  	s4 =	simm.s32 $0x1BF5;
	[smem:$0x3FB5] =	sst s0  }
0x18: {  	s0 =	sld [smem:$0x3F98];
	_ =	swait.ge [sflag:s4], $0x0  }
0x19: {  	s7 =	sld [smem:$0x3F99]  }
0x1a: {  	s8 =	sadd.s32 $0xFFFFE003, lr  }
0x1b: {  	s9 =	sadd.s32 $0xFFFFFEF7, lr;
	s5 =	simm.s32 $0xFFFFFFFF;
	p2 =	slt.u32 s8, $0xFFFFF086  }
0x1c: {  	p1 =	slt.u32 s9, $0xF7A;
	s5 =	simm.s32 @!p2 $0x0  }
0x1d: {  	s5 =	simm.s32 @p1 $0x1;
	p0 =	seq.s32 s7, s2  }
0x1e: {  	s7 =	smul.u32 @!p0 $0xF7A, s2;
	p2 =	seq.s32 @!p0 s5, $0x0  }
0x1f: {  	s9 =	smul.u32 $0xF7A, s1;
	s8 =	simm.s32 @!p0 $0x1BF5;
	p2 =	por !p2, p0  }
0x20: {  	[sflag:s8] =	ssyncset.s32 @!p0 $0xFFFFF086;
	s6 =	sadd.s32 @!p0 s3, s7;
	s7 =	simm.s32 @!p0 $0x108  }
0x21: {  	s3 =	sadd.s32 s3, s9;
	s6 =	sadd.s32 @!p0 $0x88, s6;
	s7 =	simm.s32 @p2 $0x1082  }
0x22: {  	[simem:s7], [sflag:s8] =	dma.local @!p0 [hbm:s6], $0xF7A  }
0x23: {  	s9 =	sor.u32 $0xD0000000, s2;
	s6 =	simm.s32 $0x108;
	_ =	swait.ge @!p0 [sflag:s8], $0x0  }
0x24: {  	s3 =	sadd.s32 $0x88, s3;
	s6 =	simm.s32 @!p1 $0x1082;
	[sflag:s4] =	ssyncset.s32 $0xFFFFF086  }
0x25: {  	[simem:s6], [sflag:s4] =	dma.local [hbm:s3], $0xF7A  }
0x26: {  	[smem:$0x3F99] =	sst s1;
	(tag) =	ssettag s2;
	_ =	strace s9  }
0x27: {  	s1 =	sld [smem:$0x3FA9]  }
0x28: {  	s2 =	sld [smem:$0x3FAA]  }
0x29: {  	s4 =	sld [smem:$0x3FAC]  }
0x2a: {  	p0 =	seq.s32 s5, $0x0;
	s5 =	sld [smem:$0x3FAD]  }
0x2b: {  	s6 =	sld [smem:$0x3FAE]  }
0x2c: {  	s7 =	sld [smem:$0x3FAF]  }
0x2d: {  	s3 =	simm.s32 $0x108;
	s8 =	sld [smem:$0x3FB0]  }
0x2e: {  	s3 =	simm.s32 @!p0 $0x1082;
	s9 =	sld [smem:$0x3FB1]  }
0x2f: {  	lr =	sadd.s32 s0, s3;
	s0 =	sld [smem:$0x3FA8]  }
0x30: {  	s3 =	sld [smem:$0x3FAB]  }
0x31: {  	[smem:$0x3FB4] =	sst s10  }
0x32: {  	s10 =	sld [smem:$0x3FB2];
	_ =	sdelay $0x3  }
0x33: {  	p0 =	seq.s32 s10, $0x1;
	s10 =	sld [smem:$0x3FB4];
	_ =	sdelay $0x3  }
0x34: {  	[smem:$0x3FB4] =	sst s10  }
0x35: {  	s10 =	sld [smem:$0x3FB3];
	_ =	sdelay $0x3  }
0x36: {  	p1 =	seq.s32 s10, $0x1;
	s10 =	sld [smem:$0x3FB4];
	_ =	sdelay $0x3  }
0x37: {  	[smem:$0x3FB4] =	sst s10  }
0x38: {  	s10 =	sld [smem:$0x3FB5]  }
0x39: {  	_ = 	snop;
	(pc) =	sbr.ind lr, $3  }
0x3a: {  	_ = 	snop  }
0x3b: {  	_ = 	snop  }
0x3c: {  	p2 =	seq.s32 s10, $0x1;
	s10 =	sld [smem:$0x3FB4]  }
0x3d: {  	_ =	shalt  }
0x3e: {  	_ =	shalt  }
0x3f: {  	_ =	shalt  }
0x40: {  	_ =	shalt  }
0x41: {  	_ =	shalt  }
0x42: {  	_ =	shalt  }
0x43: {  	_ =	shalt  }
0x44: {  	_ =	shalt  }
0x45: {  	_ =	shalt  }
0x46: {  	_ =	shalt  }
0x47: {  	_ =	shalt  }
0x48: {  	_ =	shalt  }
0x49: {  	_ =	shalt  }
0x4a: {  	_ =	shalt  }
0x4b: {  	_ =	shalt  }
0x4c: {  	_ =	shalt  }
0x4d: {  	_ =	shalt  }
0x4e: {  	_ =	shalt  }
0x4f: {  	_ =	shalt  }
0x50: {  	_ =	shalt  }
0x51: {  	_ =	shalt  }
0x52: {  	_ =	shalt  }
0x53: {  	_ =	shalt  }
0x54: {  	_ =	shalt  }
0x55: {  	_ =	shalt  }
0x56: {  	_ =	shalt  }
0x57: {  	_ =	shalt  }
0x58: {  	_ =	shalt  }
0x59: {  	_ =	shalt  }
0x5a: {  	_ =	shalt  }
0x5b: {  	_ =	shalt  }
0x5c: {  	_ =	shalt  }
0x5d: {  	_ =	shalt  }
0x5e: {  	_ =	shalt  }
0x5f: {  	_ =	shalt  }
0x60: {  	_ =	shalt  }
0x61: {  	_ =	shalt  }
0x62: {  	_ =	shalt  }
0x63: {  	_ =	shalt  }
0x64: {  	_ =	shalt  }
0x65: {  	_ =	shalt  }
0x66: {  	_ =	shalt  }
0x67: {  	_ =	shalt  }
0x68: {  	_ =	shalt  }
0x69: {  	_ =	shalt  }
0x6a: {  	_ =	shalt  }
0x6b: {  	_ =	shalt  }
0x6c: {  	_ =	shalt  }
0x6d: {  	_ =	shalt  }
0x6e: {  	_ =	shalt  }
0x6f: {  	_ =	shalt  }
0x70: {  	_ =	shalt  }
0x71: {  	_ =	shalt  }
0x72: {  	_ =	shalt  }
0x73: {  	_ =	shalt  }
0x74: {  	_ =	shalt  }
0x75: {  	_ =	shalt  }
0x76: {  	_ =	shalt  }
0x77: {  	_ =	shalt  }
0x78: {  	_ =	shalt  }
0x79: {  	_ =	shalt  }
0x7a: {  	_ =	shalt  }
0x7b: {  	_ =	shalt  }
0x7c: {  	_ =	shalt  }
0x7d: {  	_ =	shalt  }
0x7e: {  	_ =	shalt  }
0x7f: {  	_ =	shalt  }
0x80: {  	_ =	shalt  }
0x81: {  	_ =	shalt  }
0x82: {  	_ =	shalt  }
0x83: {  	_ =	shalt  }
0x84: {  	_ =	shalt  }
0x85: {  	_ =	shalt  }
0x86: {  	_ =	shalt  }
0x87: {  	_ =	shalt  }
.Lfunc_end0:
.L_simem_size_0:
called_computation.2_lowered:
.L_overlay_start_0:
0x88: {  	s2 =	sld [smem:$0x3FD9]  }
0x89: {  	s3 =	sld [smem:$0x3FFE];
	_ =	sdelay $0x1  }
0x8a: {  	s1 =	srdreg.scid  }
0x8b: {  	s0 =	sand.u32 $0x1, s1  }
0x8c: {  	s17 =	sshll.u32 s0, $0xA;
	s2 =	sadd.s32 s3, s2  }
0x8d: {  	s2 =	sadd.s32 s2, s17  }
0x8e: {  	[smem:$0x3FC0] =	sst s2  }
0x8f: {  	_ = 	snop  }
0x90: {  	s2 =	sld [smem:$0x3FD0];
	(tm) =	ssettm $0x1  }
0x91: {  	s18 =	sld [smem:$0x3FFB];
	_ =	sdelay $0x3  }
0x92: {  	_ =	strace s18  }
0x93: {  	s3 =	sld [smem:$0x3FFC];
	_ =	sdelay $0x3  }
0x94: {  	_ =	strace s3  }
0x95: {  	s3 =	sld [smem:$0x3FFD];
	_ =	sdelay $0x3  }
0x96: {  	_ =	strace s3  }
0x97: {  	_ =	strace $0x8FFFFFFF  }
0x98: {  	s19 =	sld [smem:$0x3FDB];
	_ =	sdelay $0x1  }
0x99: {  	s4 =	simm.s32 $_scs_section_size  }
0x9a: {  	s5 =	simm.s32 $_size__tile_overlayer_lowered;
	s6 =	simm.s32 $_tile_overlayer_lowered  }
0x9b: {  	s22 =	simm.s32 $0x1BFF;
	s21 =	sshll.u32 s6, $0x1;
	s3 =	sadd.s32 s4, s19  }
0x9c: {  	s7 =	simm.s32 $0x0;
	s20 =	sshll.u32 s5, $0x1;
	s5 =	sadd.s32 s21, s3  }
0x9d: {  	[timem:s7], [sflag:s22] =	dma.local [hbm:s5], s20  }
0x9e: {  	_ =	swait.ge [sflag:s22], s20  }
0x9f: {  	s4 =	ssub.s32 $0x0, s20;
	[sflag:s22] =	ssyncset.done $0x0  }
0xa0: {  	[sflag:s22] =	ssyncadd.s32 s4;
	_ =	sdelay $0x1  }
0xa1: {  	s23 =	simm.s32 $0x1B8B  }
0xa2: {  	_ =	swait.ge [sflag:s23], $0x1  }
0xa3: {  	[sflag:s23] =	ssyncset.done $0x0  }
0xa4: {  	s25 =	simm.s32 $0x1B8E;
	s24 =	sld [smem:$0x3FFE];
	[sflag:s23] =	ssyncadd.s32 $0xFFFFFFFF  }
0xa5: {  	s26 =	simm.s32 $execute0_lowered;
	[smem:$0x3FD2] =	sst s25  }
0xa6: {  	s5 =	sshll.u32 s26, $0x1;
	_ =	strace $0x8000004C;
	[dreg:$0x1] =	wrdreg $0xFFFFFFFF  }
0xa7: {  	s28 =	simm.s32 $_size_execute0_lowered;
	s3 =	sadd.s32 s3, s5;
	[dreg:$0x0] =	wrdreg $0x0  }
0xa8: {  	s5 =	sshll.u32 s28, $0x1;
	[dreg:$0x2] =	wrdreg s3  }
0xa9: {  	[dreg:$0x3] =	wrdreg s5  }
0xaa: {  	[dreg:$0x4] =	wrdreg $0xC0  }
0xab: {  	_ =	task [dreg:s7], $0x5FFFF  }
0xac: {  	[dreg:$0x1] =	wrdreg $0xFFFFFFFF  }
0xad: {  	[dreg:$0x0] =	wrdreg $0x60  }
0xae: {  	[dreg:$0x2] =	wrdreg s24  }
0xaf: {  	[dreg:$0x3] =	wrdreg s2  }
0xb0: {  	[dreg:$0x4] =	wrdreg $0xA8000  }
0xb1: {  	[dreg:$0x5] =	wrdreg $0x9  }
0xb2: {  	_ =	task.clear_ibuf [dreg:s7], $0x6FFFF;
	_ =	strace $0x9000004C  }
0xb3: {  	s29 =	simm.s32 $0x9;
	_ =	strace $0x8000004E  }
0xb4: {  	_ =	swait.ge [sflag:s29], $0x1  }
0xb5: {  	[sflag:s29] =	ssyncadd.s32 $0xFFFFFFFF  }
0xb6: {  	_ =	strace $0x9000004E  }
0xb7: {  	_ =	sfence  }
0xb8: {  	s30 =	sld [smem:$0x0];
	_ =	sdelay $0x2  }
0xb9: {  	s31 =	sshll.u32 s1, $0xD;
	s1 =	sshrl.u32 s1, $0x2  }
0xba: {  	s3 =	sand.u32 $0x4000, s31;
	s1 =	sadd.s32 s1, s30  }
0xbb: {  	s0 =	sor.u32 s3, s0;
	s1 =	sshll.u32 s1, $0x11  }
0xbc: {  	s0 =	sor.u32 s1, s0  }
0xbd: {  	s0 =	sadd.s32 $0x8F2B, s0  }
0xbe: {  	[sflag:s0] =	ssyncadd.remote.s32 $0x1  }
0xbf: {  	_ =	sfence.sel $0xFFFF  }
0xc0: {  	[dreg:$0x0] =	wrdreg $0xFFFFFFFF;
	(pc) =	sbr.abs _section_cstart, $3  }
0xc1: {  	[dreg:$0x1] =	wrdreg $0xFFFFFFFF  }
0xc2: {  	_ =	task.clear_ibuf [dreg:s7], $0x2FFFF;
	_ =	strace $0x9FFFFFFF  }
0xc3: {  	(tm) =	ssettm $0x7FFFFFFF  }
tec
execute0_lowered:
.L_overlay_start_1:
0x0: {  	(tag) =	ssettag $0x1  }
0x1: {  	s7 =	rddreg [dreg:$0x0]  }
0x2: {  	s2 =	rddreg [dreg:$0x1]  }
0x3: {  	s3 =	rddreg [dreg:$0x2]  }
0x4: {  	s0 =	rddreg [dreg:$0x3]  }
0x5: {  	s1 =	stileid.u32;
	s5 =	srdreg.scid;
	s4 =	simm.s32 $0x0  }
0x6: {  	s16 =	simm.s32 $0x1400;
	s17 =	simm.s32 $0x80;
	s18 =	simm.s32 $0x2800  }
0x7: {  	s19 =	simm.s32 $0x1;
	s20 =	simm.s32 $0x6800;
	s21 =	simm.s32 $0x2  }
0x8: {  	s22 =	simm.s32 $0x1380;
	s23 =	simm.s32 $0x2700;
	s8 =	smul.u32 $0x14000, s1  }
0x9: {  	s24 =	simm.s32 $0x2780;
	s9 =	sand.u32 $0x1, s5;
	s11 =	smul.u32 $0x50000, s1  }
0xa: {  	[smem:$0x7FF] =	sst s4;
	s5 =	sadd.s32 $0xE400, s7;
	s13 =	smul.u32 $0x5000, s1  }
0xb: {  	s6 =	sadd.s32 $0x4400, s7;
	s29 =	sshll.u32 s1, $0x6;
	s10 =	smul.u32 $0x140000, s9  }
0xc: {  	_ =	strace $0x8000004D;
	s26 =	ssub.s32 $0x2, s9;
	p0 =	seq.s32 s9, $0x1  }
0xd: {  	s9 =	sshll.u32 s1, $0x2;
	s28 =	sshrl.u32 s26, $0x1;
	s11 =	sshrl.u32 s11, $0x2  }
0xe: {  	s30 =	sshrl.u32 s13, $0x3;
	s10 =	sadd.s32 s8, s10;
	s8 =	sshrl.u32 s8, $0x3  }
.Ltmp0:
0xf: {  	s14 =	ssub.s32 s26, s28;
	s15 =	sadd.s32 s11, s3;
	(pc) =	sbr.rel .LBB2_1-.Ltmp0, $4  }
0x10: {  	s31 =	sadd.s32 $0x780, s30;
	s10 =	sshrl.u32 s10, $0x3;
	s8 =	sadd.s32 s8, s7  }
0x11: {  	s11 =	sadd.s32 s2, s31;
	s13 =	smax.u32 s14, $0x1;
	s14 =	sshrl.u32 s15, $0x3  }
0x12: {  	s15 =	simm.s32 $0x3;
	s12 =	sadd.s32 s10, s7;
	s7 =	sadd.s32 $0x5E400, s8  }
0x13: {  	s8 =	sor.u32 $0x1C03, s29;
	s10 =	sadd.s32 s6, s31;
	s12 =	sadd.s32 $0x86400, s12  }
.LBB2_8:
0x14: {  	s4 =	sadd.s32 $0x1, s4  }
0x15: {  	p1 =	sne.s32 s4, s13  }
.Ltmp1:
0x16: {  	[bflag:$0x0] =	sbarrier.arrive $0xFFFF;
	(pc) =	sbr.rel @!p1 .LBB2_9-.Ltmp1, $4  }
0x17: {  	[hbm:s12], [sflag:s8] =	dma.local [spmem:s14], $0x2800  }
0x18: {  	_ =	swait.ge [sflag:s15], $0x2800  }
0x19: {  	[sflag:s15] =	ssyncset.done $0x0  }
0x1a: {  	[sflag:s15] =	ssyncadd.s32 $0xFFFFD800  }
.LBB2_1:
0x1b: {  	[spmem:s14], [sflag:s8] =	dma.local [hbm:s7], $0x2800  }
.Ltmp2:
0x1c: {  	_ =	swait.ge [sflag:s15], $0x2800;
	(pc) =	sbr.rel @!p0 .LBB2_2-.Ltmp2, $4  }
0x1d: {  	[sflag:s15] =	ssyncset.done $0x0  }
0x1e: {  	[sflag:s15] =	ssyncadd.s32 $0xFFFFD800  }
0x1f: {  	[bflag:$0x0] =	sbarrier.arrive $0xFFFF  }
0x20: {  	s25 =	simm.s32 $0x0  }
0x21: {  	s25 =	simm.s32 $0x0  }
0x22: {  	[tilespmem:s25], [sflag:$0x3] =	stream.linear.gather [hbm4b:s10+s25], $0x1400, $0x38;
	[tilespmem:$0x1E800] =	vst v63  }
0x23: {  	_ =	swait.ge [sflag:s15], $0x1400  }
0x24: {  	[sflag:s15] =	ssyncset.done $0x0  }
0x25: {  	[sflag:s15] =	ssyncadd.s32 $0xFFFFEC00  }
0x26: {  	[tilespmem:s16], [sflag:$0x3] =	stream.linear.gather [hbm4b:s11+s25], $0x1400, $0x38;
	[tilespmem:$0x1E800] =	vst v63  }
0x27: {  	_ =	swait.ge [sflag:s15], $0x1400  }
0x28: {  	[sflag:s15] =	ssyncset.done $0x0  }
0x29: {  	[sflag:s15] =	ssyncadd.s32 $0xFFFFEC00  }
0x2a: {  	[tilespmem:s18], [sflag:$0x1] =	stream.indirect.gather [hbm4b:s5+s17], $0x80, s25, s17, $0xb8;
	[tilespmem:$0x1E800] =	vst v63  }
0x2b: {  	_ =	swait.ge [sflag:s19], $0x4000  }
0x2c: {  	[sflag:s19] =	ssyncset.done $0x0  }
0x2d: {  	s28 =	simm.s32 $0x80;
	[sflag:s19] =	ssyncadd.s32 $0xFFFFC000  }
0x2e: {  	[tilespmem:s20], [sflag:$0x2] =	stream.indirect.gather [hbm4b:s5+s17], $0x80, s28, s17, $0xb8;
	[tilespmem:$0x1E800] =	vst v63  }
0x2f: {  	s29 =	simm.s32 $0x1400  }
0x30: {  	[spmem:s3] =	stream.indirect.scatter.add.f32 [tilespmem:s18], [sflag:$0x3], $0x80, s29, s17, $0xb8;
	[tilespmem:$0x1E800] =	vst v63  }
0x31: {  	_ =	swait.ge [sflag:s15], $0x4000  }
0x32: {  	[sflag:s15] =	ssyncset.done $0x0  }
0x33: {  	[sflag:s15] =	ssyncadd.s32 $0xFFFFC000  }
0x34: {  	_ =	swait.ge [sflag:s21], $0x4000  }
0x35: {  	[sflag:s21] =	ssyncset.done $0x0  }
0x36: {  	s30 =	simm.s32 $0x100;
	[sflag:s21] =	ssyncadd.s32 $0xFFFFC000  }
0x37: {  	[tilespmem:s18], [sflag:$0x1] =	stream.indirect.gather [hbm4b:s5+s17], $0x80, s30, s17, $0xb8;
	[tilespmem:$0x1E800] =	vst v63  }
0x38: {  	s31 =	simm.s32 $0x1480  }
0x39: {  	[spmem:s3] =	stream.indirect.scatter.add.f32 [tilespmem:s20], [sflag:$0x3], $0x80, s31, s17, $0xb8;
	[tilespmem:$0x1E800] =	vst v63  }
0x3a: {  	_ =	swait.ge [sflag:s15], $0x4000  }
0x3b: {  	[sflag:s15] =	ssyncset.done $0x0  }
0x3c: {  	[sflag:s15] =	ssyncadd.s32 $0xFFFFC000  }
0x3d: {  	_ =	swait.ge [sflag:s19], $0x4000  }
0x3e: {  	s26 =	simm.s32 $0x800;
	s25 =	simm.s32 $0x100;
	[sflag:s19] =	ssyncset.done $0x0  }
.LBB2_6:
0x3f: {  	s28 =	sadd.s32 $0x80, s25  }
0x40: {  	[sflag:s19] =	ssyncadd.s32 $0xFFFFC000;
	s29 =	smov.u32 s26;
	s30 =	sadd.s32 $0x400, s26  }
0x41: {  	[tilespmem:s20], [sflag:$0x2] =	stream.indirect.gather [hbm4b:s5+s17], $0x80, s28, s17, $0xb8;
	[tilespmem:$0x1E800] =	vst v63  }
0x42: {  	p1 =	sne.s32 s26, $0x4800;
	s26 =	sadd.s32 $0x1400, s25  }
0x43: {  	[spmem:s3] =	stream.indirect.scatter.add.f32 [tilespmem:s18], [sflag:$0x3], $0x80, s26, s17, $0xb8;
	[tilespmem:$0x1E800] =	vst v63  }
0x44: {  	_ =	swait.ge [sflag:s15], $0x4000  }
0x45: {  	[sflag:s15] =	ssyncset.done $0x0  }
0x46: {  	[sflag:s15] =	ssyncadd.s32 $0xFFFFC000  }
0x47: {  	_ =	swait.ge [sflag:s21], $0x4000  }
0x48: {  	[sflag:s21] =	ssyncset.done $0x0  }
0x49: {  	s26 =	sadd.s32 $0x100, s25;
	[sflag:s21] =	ssyncadd.s32 $0xFFFFC000  }
0x4a: {  	[tilespmem:s18], [sflag:$0x1] =	stream.indirect.gather [hbm4b:s5+s17], $0x80, s26, s17, $0xb8;
	[tilespmem:$0x1E800] =	vst v63  }
0x4b: {  	s25 =	sadd.s32 $0x1480, s25  }
0x4c: {  	[spmem:s3] =	stream.indirect.scatter.add.f32 [tilespmem:s20], [sflag:$0x3], $0x80, s25, s17, $0xb8;
	[tilespmem:$0x1E800] =	vst v63  }
.Ltmp3:
0x4d: {  	_ =	swait.ge [sflag:s15], $0x4000;
	(pc) =	sbr.rel @p1 .LBB2_6-.Ltmp3, $4  }
0x4e: {  	[sflag:s15] =	ssyncset.done $0x0  }
0x4f: {  	[sflag:s15] =	ssyncadd.s32 $0xFFFFC000  }
0x50: {  	_ =	swait.ge [sflag:s19], $0x4000  }
0x51: {  	s26 =	smov.u32 s30;
	s25 =	sshra.s32 s29, $0x2;
	[sflag:s19] =	ssyncset.done $0x0  }
0x52: {  	s26 =	sadd.s32 $0x80, s25;
	[sflag:s19] =	ssyncadd.s32 $0xFFFFC000  }
0x53: {  	[tilespmem:s20], [sflag:$0x2] =	stream.indirect.gather [hbm4b:s5+s17], $0x80, s26, s17, $0xb8;
	[tilespmem:$0x1E800] =	vst v63  }
0x54: {  	s29 =	sadd.s32 $0x1400, s25  }
0x55: {  	[spmem:s3] =	stream.indirect.scatter.add.f32 [tilespmem:s18], [sflag:$0x3], $0x80, s29, s17, $0xb8;
	[tilespmem:$0x1E800] =	vst v63  }
0x56: {  	_ =	swait.ge [sflag:s15], $0x4000  }
0x57: {  	[sflag:s15] =	ssyncset.done $0x0  }
0x58: {  	[sflag:s15] =	ssyncadd.s32 $0xFFFFC000  }
0x59: {  	_ =	swait.ge [sflag:s21], $0x4000  }
0x5a: {  	[sflag:s21] =	ssyncset.done $0x0  }
0x5b: {  	s30 =	sadd.s32 $0x100, s25;
	[sflag:s21] =	ssyncadd.s32 $0xFFFFC000  }
0x5c: {  	[tilespmem:s18], [sflag:$0x1] =	stream.indirect.gather [hbm4b:s5+s17], $0x80, s30, s17, $0xb8;
	[tilespmem:$0x1E800] =	vst v63  }
0x5d: {  	s31 =	sadd.s32 $0x1480, s25  }
0x5e: {  	[spmem:s3] =	stream.indirect.scatter.add.f32 [tilespmem:s20], [sflag:$0x3], $0x80, s31, s17, $0xb8;
	[tilespmem:$0x1E800] =	vst v63  }
0x5f: {  	_ =	swait.ge [sflag:s15], $0x4000  }
0x60: {  	[sflag:s15] =	ssyncset.done $0x0  }
0x61: {  	[sflag:s15] =	ssyncadd.s32 $0xFFFFC000  }
0x62: {  	_ =	swait.ge [sflag:s19], $0x4000  }
0x63: {  	[sflag:s19] =	ssyncset.done $0x0  }
0x64: {  	[sflag:s19] =	ssyncadd.s32 $0xFFFFC000  }
0x65: {  	[tilespmem:s20], [sflag:$0x2] =	stream.indirect.gather [hbm4b:s5+s17], $0x80, s22, s17, $0xb8;
	[tilespmem:$0x1E800] =	vst v63  }
0x66: {  	_ = 	snop  }
0x67: {  	[spmem:s3] =	stream.indirect.scatter.add.f32 [tilespmem:s18], [sflag:$0x3], $0x80, s23, s17, $0xb8;
	[tilespmem:$0x1E800] =	vst v63  }
0x68: {  	_ =	swait.ge [sflag:s15], $0x4000  }
0x69: {  	[sflag:s15] =	ssyncset.done $0x0  }
0x6a: {  	[sflag:s15] =	ssyncadd.s32 $0xFFFFC000  }
0x6b: {  	_ =	swait.ge [sflag:s21], $0x4000  }
0x6c: {  	[sflag:s21] =	ssyncset.done $0x0  }
.Ltmp4:
0x6d: {  	[sflag:s21] =	ssyncadd.s32 $0xFFFFC000;
	(pc) =	sbr.rel .LBB2_8-.Ltmp4, $4  }
0x6e: {  	[spmem:s3] =	stream.indirect.scatter.add.f32 [tilespmem:s20], [sflag:$0x3], $0x80, s24, s17, $0xb8;
	[tilespmem:$0x1E800] =	vst v63  }
0x6f: {  	_ =	swait.ge [sflag:s15], $0x4000  }
0x70: {  	[sflag:s15] =	ssyncset.done $0x0  }
0x71: {  	[sflag:s15] =	ssyncadd.s32 $0xFFFFC000  }
.LBB2_2:
0x72: {  	s26 =	sadd.s32 s9, s25  }
0x73: {  	s26 =	smul.u32 $0x280, s26;
	_ =	sdelay $0x1  }
0x74: {  	s29 =	simm.s32 $0x0;
	s28 =	sadd.s32 s6, s26  }
0x75: {  	[tilespmem:s29], [sflag:$0x3] =	stream.linear.gather [hbm4b:s28+s29], $0x1400, $0x38;
	[tilespmem:$0x1E800] =	vst v63  }
0x76: {  	_ =	swait.ge [sflag:s15], $0x1400  }
0x77: {  	[sflag:s15] =	ssyncset.done $0x0  }
0x78: {  	s26 =	sadd.s32 s2, s26;
	[sflag:s15] =	ssyncadd.s32 $0xFFFFEC00  }
0x79: {  	[tilespmem:s16], [sflag:$0x3] =	stream.linear.gather [hbm4b:s26+s29], $0x1400, $0x38;
	[tilespmem:$0x1E800] =	vst v63  }
0x7a: {  	_ =	swait.ge [sflag:s15], $0x1400  }
0x7b: {  	[sflag:s15] =	ssyncset.done $0x0  }
0x7c: {  	[sflag:s15] =	ssyncadd.s32 $0xFFFFEC00  }
0x7d: {  	[tilespmem:s18], [sflag:$0x1] =	stream.indirect.gather [hbm4b:s5+s17], $0x80, s29, s17, $0xb8;
	[tilespmem:$0x1E800] =	vst v63  }
0x7e: {  	_ =	swait.ge [sflag:s19], $0x4000  }
0x7f: {  	[sflag:s19] =	ssyncset.done $0x0  }
0x80: {  	s31 =	simm.s32 $0x80;
	[sflag:s19] =	ssyncadd.s32 $0xFFFFC000  }
0x81: {  	[tilespmem:s20], [sflag:$0x2] =	stream.indirect.gather [hbm4b:s5+s17], $0x80, s31, s17, $0xb8;
	[tilespmem:$0x1E800] =	vst v63  }
0x82: {  	s29 =	simm.s32 $0x1400  }
0x83: {  	[spmem:s3] =	stream.indirect.scatter.add.f32 [tilespmem:s18], [sflag:$0x3], $0x80, s29, s17, $0xb8;
	[tilespmem:$0x1E800] =	vst v63  }
0x84: {  	_ =	swait.ge [sflag:s15], $0x4000  }
0x85: {  	[sflag:s15] =	ssyncset.done $0x0  }
0x86: {  	[sflag:s15] =	ssyncadd.s32 $0xFFFFC000  }
0x87: {  	_ =	swait.ge [sflag:s21], $0x4000  }
0x88: {  	[sflag:s21] =	ssyncset.done $0x0  }
0x89: {  	s30 =	simm.s32 $0x100;
	[sflag:s21] =	ssyncadd.s32 $0xFFFFC000  }
0x8a: {  	[tilespmem:s18], [sflag:$0x1] =	stream.indirect.gather [hbm4b:s5+s17], $0x80, s30, s17, $0xb8;
	[tilespmem:$0x1E800] =	vst v63  }
0x8b: {  	s31 =	simm.s32 $0x1480  }
0x8c: {  	[spmem:s3] =	stream.indirect.scatter.add.f32 [tilespmem:s20], [sflag:$0x3], $0x80, s31, s17, $0xb8;
	[tilespmem:$0x1E800] =	vst v63  }
0x8d: {  	_ =	swait.ge [sflag:s15], $0x4000  }
0x8e: {  	[sflag:s15] =	ssyncset.done $0x0  }
0x8f: {  	[sflag:s15] =	ssyncadd.s32 $0xFFFFC000  }
0x90: {  	_ =	swait.ge [sflag:s19], $0x4000  }
0x91: {  	s28 =	simm.s32 $0x800;
	s26 =	simm.s32 $0x100;
	[sflag:s19] =	ssyncset.done $0x0  }
.LBB2_3:
0x92: {  	s29 =	sadd.s32 $0x80, s26  }
0x93: {  	[sflag:s19] =	ssyncadd.s32 $0xFFFFC000;
	s30 =	smov.u32 s28;
	s31 =	sadd.s32 $0x400, s28  }
0x94: {  	[tilespmem:s20], [sflag:$0x2] =	stream.indirect.gather [hbm4b:s5+s17], $0x80, s29, s17, $0xb8;
	[tilespmem:$0x1E800] =	vst v63  }
0x95: {  	p1 =	sne.s32 s28, $0x4800;
	s28 =	sadd.s32 $0x1400, s26  }
0x96: {  	[spmem:s3] =	stream.indirect.scatter.add.f32 [tilespmem:s18], [sflag:$0x3], $0x80, s28, s17, $0xb8;
	[tilespmem:$0x1E800] =	vst v63  }
0x97: {  	_ =	swait.ge [sflag:s15], $0x4000  }
0x98: {  	[sflag:s15] =	ssyncset.done $0x0  }
0x99: {  	[sflag:s15] =	ssyncadd.s32 $0xFFFFC000  }
0x9a: {  	_ =	swait.ge [sflag:s21], $0x4000  }
0x9b: {  	[sflag:s21] =	ssyncset.done $0x0  }
0x9c: {  	s28 =	sadd.s32 $0x100, s26;
	[sflag:s21] =	ssyncadd.s32 $0xFFFFC000  }
0x9d: {  	[tilespmem:s18], [sflag:$0x1] =	stream.indirect.gather [hbm4b:s5+s17], $0x80, s28, s17, $0xb8;
	[tilespmem:$0x1E800] =	vst v63  }
0x9e: {  	s26 =	sadd.s32 $0x1480, s26  }
0x9f: {  	[spmem:s3] =	stream.indirect.scatter.add.f32 [tilespmem:s20], [sflag:$0x3], $0x80, s26, s17, $0xb8;
	[tilespmem:$0x1E800] =	vst v63  }
.Ltmp5:
0xa0: {  	_ =	swait.ge [sflag:s15], $0x4000;
	(pc) =	sbr.rel @p1 .LBB2_3-.Ltmp5, $4  }
0xa1: {  	[sflag:s15] =	ssyncset.done $0x0  }
0xa2: {  	[sflag:s15] =	ssyncadd.s32 $0xFFFFC000  }
0xa3: {  	_ =	swait.ge [sflag:s19], $0x4000  }
0xa4: {  	s28 =	smov.u32 s31;
	s26 =	sshra.s32 s30, $0x2;
	[sflag:s19] =	ssyncset.done $0x0  }
0xa5: {  	s28 =	sadd.s32 $0x80, s26;
	[sflag:s19] =	ssyncadd.s32 $0xFFFFC000  }
0xa6: {  	[tilespmem:s20], [sflag:$0x2] =	stream.indirect.gather [hbm4b:s5+s17], $0x80, s28, s17, $0xb8;
	[tilespmem:$0x1E800] =	vst v63  }
0xa7: {  	s29 =	sadd.s32 $0x1400, s26  }
0xa8: {  	[spmem:s3] =	stream.indirect.scatter.add.f32 [tilespmem:s18], [sflag:$0x3], $0x80, s29, s17, $0xb8;
	[tilespmem:$0x1E800] =	vst v63  }
0xa9: {  	_ =	swait.ge [sflag:s15], $0x4000  }
0xaa: {  	[sflag:s15] =	ssyncset.done $0x0  }
0xab: {  	[sflag:s15] =	ssyncadd.s32 $0xFFFFC000  }
0xac: {  	_ =	swait.ge [sflag:s21], $0x4000  }
0xad: {  	[sflag:s21] =	ssyncset.done $0x0  }
0xae: {  	s30 =	sadd.s32 $0x100, s26;
	[sflag:s21] =	ssyncadd.s32 $0xFFFFC000  }
0xaf: {  	[tilespmem:s18], [sflag:$0x1] =	stream.indirect.gather [hbm4b:s5+s17], $0x80, s30, s17, $0xb8;
	[tilespmem:$0x1E800] =	vst v63  }
0xb0: {  	s31 =	sadd.s32 $0x1480, s26  }
0xb1: {  	[spmem:s3] =	stream.indirect.scatter.add.f32 [tilespmem:s20], [sflag:$0x3], $0x80, s31, s17, $0xb8;
	[tilespmem:$0x1E800] =	vst v63  }
0xb2: {  	_ =	swait.ge [sflag:s15], $0x4000  }
0xb3: {  	[sflag:s15] =	ssyncset.done $0x0  }
0xb4: {  	[sflag:s15] =	ssyncadd.s32 $0xFFFFC000  }
0xb5: {  	_ =	swait.ge [sflag:s19], $0x4000  }
0xb6: {  	[sflag:s19] =	ssyncset.done $0x0  }
0xb7: {  	[sflag:s19] =	ssyncadd.s32 $0xFFFFC000  }
0xb8: {  	[tilespmem:s20], [sflag:$0x2] =	stream.indirect.gather [hbm4b:s5+s17], $0x80, s22, s17, $0xb8;
	[tilespmem:$0x1E800] =	vst v63  }
0xb9: {  	_ = 	snop  }
0xba: {  	[spmem:s3] =	stream.indirect.scatter.add.f32 [tilespmem:s18], [sflag:$0x3], $0x80, s23, s17, $0xb8;
	[tilespmem:$0x1E800] =	vst v63  }
0xbb: {  	_ =	swait.ge [sflag:s15], $0x4000  }
0xbc: {  	[sflag:s15] =	ssyncset.done $0x0  }
0xbd: {  	[sflag:s15] =	ssyncadd.s32 $0xFFFFC000  }
0xbe: {  	_ =	swait.ge [sflag:s21], $0x4000  }
0xbf: {  	s25 =	sadd.s32 $0x1, s25;
	[sflag:s21] =	ssyncset.done $0x0  }
0xc0: {  	p1 =	seq.s32 s25, $0x3;
	[sflag:s21] =	ssyncadd.s32 $0xFFFFC000  }
0xc1: {  	[spmem:s3] =	stream.indirect.scatter.add.f32 [tilespmem:s20], [sflag:$0x3], $0x80, s24, s17, $0xb8;
	[tilespmem:$0x1E800] =	vst v63  }
.Ltmp6:
0xc2: {  	_ = 	snop;
	(pc) =	sbr.rel @!p1 .LBB2_2-.Ltmp6, $4  }
.Ltmp7:
0xc3: {  	_ = 	snop;
	(pc) =	sbr.rel @p1 .LBB2_8-.Ltmp7, $4  }
0xc4: {  	_ =	swait.ge [sflag:s15], $0x4000  }
0xc5: {  	[sflag:s15] =	ssyncset.done $0x0  }
0xc6: {  	[sflag:s15] =	ssyncadd.s32 $0xFFFFC000  }
0xc7: {  	_ = 	snop  }
.LBB2_9:
0xc8: {  	_ =	sfence.sel $0x180000  }
0xc9: {  	[bflag:$0x0] =	sbarrier.arrive $0xFFFF  }
0xca: {  	p0 =	sne.s32 s1, $0x0;
	_ =	strace $0x9000004D  }
0xcb: {  	s0 =	sadd.s32 @!p0 $0x100000, s0;
	[bflag:$0x2] =	sbarrier.arrive $0xFFFF  }
0xcc: {  	[sflag:s0] =	ssyncadd.tile.s32 @!p0 $0x1;
	_ =	shalt  }
.Lfunc_end2:
_tile_overlayer_lowered:
.L_overlay_start_2:
0xcd: {  	(tag) =	ssettag $0x2  }
0xce: {  	s0 =	rddreg [dreg:$0x0];
	s2 =	stileid.u32  }
0xcf: {  	s1 =	rddreg [dreg:$0x1];
	p0 =	sne.s32 s2, $0x0  }
0xd0: {  	s3 =	rddreg [dreg:$0x2];
	[bflag:$0x3] =	sbarrier.arrive $0xFFFF;
	s2 =	simm.s32 @!p0 $0x1C03  }
0xd1: {  	[timem:s3], [sflag:s2] =	dma.local @!p0 [hbm:s0], s1  }
0xd2: {  	s0 =	simm.s32 @!p0 $0x3  }
0xd3: {  	_ =	swait.ge @!p0 [sflag:s0], s1  }
0xd4: {  	s1 =	ssub.s32 @!p0 $0x0, s1;
	[sflag:s0] =	ssyncset.done @!p0 $0x0  }
0xd5: {  	[sflag:s0] =	ssyncadd.s32 @!p0 s1  }
0xd6: {  	[bflag:$0x3] =	sbarrier.arrive $0xFFFF  }
0xd7: {  	_ =	shalt  }

// kernel: kernel.9.cloned.1.call-start
scs
__scs_entry_jumppad:
0x0: {  	(pc) =	sbr.rel $0x88, $3  }
0x1: {  	(tag) =	ssettag $0x0;
	lr =	simm.s32 $0x1  }
0x2: {  	[smem:$0x3F99] =	sst lr;
	_ =	strace $0xD0000000  }
0x3: {  	_ = 	snop  }
0x4: {  	_ = 	snop  }
0x5: {  	_ = 	snop  }
0x6: {  	_ = 	snop  }
0x7: {  	_ = 	snop  }
__scs_overlays_trampoline_lowered:
0x8: {  	[smem:$0x3FA8] =	sst s0  }
0x9: {  	[smem:$0x3FA9] =	sst s1  }
0xa: {  	[smem:$0x3FAA] =	sst s2  }
0xb: {  	[smem:$0x3FAB] =	sst s3  }
0xc: {  	[smem:$0x3FAC] =	sst s4  }
0xd: {  	[smem:$0x3FAD] =	sst s5  }
0xe: {  	[smem:$0x3FAE] =	sst s6  }
0xf: {  	[smem:$0x3FAF] =	sst s7  }
0x10: {  	[smem:$0x3FB0] =	sst s8  }
0x11: {  	[smem:$0x3FB1] =	sst s9;
	s0 =	simm.s32 @!p0 $0x0  }
0x12: {  	s1 =	sld [smem:$0x3F97];
	s0 =	simm.s32 @p0 $0x1  }
0x13: {  	[smem:$0x3FB2] =	sst s0;
	s0 =	simm.s32 @!p1 $0x0  }
0x14: {  	s2 =	sld [smem:$0x3F96];
	s0 =	simm.s32 @p1 $0x1  }
0x15: {  	[smem:$0x3FB3] =	sst s0;
	s0 =	simm.s32 @!p2 $0x0  }
0x16: {  	s3 =	sld [smem:$0x3FDB];
	s0 =	simm.s32 @p2 $0x1  }
0x17: {  	s4 =	simm.s32 $0x1BF5;
	[smem:$0x3FB5] =	sst s0  }
0x18: {  	s0 =	sld [smem:$0x3F98];
	_ =	swait.ge [sflag:s4], $0x0  }
0x19: {  	s7 =	sld [smem:$0x3F99]  }
0x1a: {  	s8 =	sadd.s32 $0xFFFFE003, lr  }
0x1b: {  	s9 =	sadd.s32 $0xFFFFFEF7, lr;
	s5 =	simm.s32 $0xFFFFFFFF;
	p2 =	slt.u32 s8, $0xFFFFF086  }
0x1c: {  	p1 =	slt.u32 s9, $0xF7A;
	s5 =	simm.s32 @!p2 $0x0  }
0x1d: {  	s5 =	simm.s32 @p1 $0x1;
	p0 =	seq.s32 s7, s2  }
0x1e: {  	s7 =	smul.u32 @!p0 $0xF7A, s2;
	p2 =	seq.s32 @!p0 s5, $0x0  }
0x1f: {  	s9 =	smul.u32 $0xF7A, s1;
	s8 =	simm.s32 @!p0 $0x1BF5;
	p2 =	por !p2, p0  }
0x20: {  	[sflag:s8] =	ssyncset.s32 @!p0 $0xFFFFF086;
	s6 =	sadd.s32 @!p0 s3, s7;
	s7 =	simm.s32 @!p0 $0x108  }
0x21: {  	s3 =	sadd.s32 s3, s9;
	s6 =	sadd.s32 @!p0 $0x88, s6;
	s7 =	simm.s32 @p2 $0x1082  }
0x22: {  	[simem:s7], [sflag:s8] =	dma.local @!p0 [hbm:s6], $0xF7A  }
0x23: {  	s9 =	sor.u32 $0xD0000000, s2;
	s6 =	simm.s32 $0x108;
	_ =	swait.ge @!p0 [sflag:s8], $0x0  }
0x24: {  	s3 =	sadd.s32 $0x88, s3;
	s6 =	simm.s32 @!p1 $0x1082;
	[sflag:s4] =	ssyncset.s32 $0xFFFFF086  }
0x25: {  	[simem:s6], [sflag:s4] =	dma.local [hbm:s3], $0xF7A  }
0x26: {  	[smem:$0x3F99] =	sst s1;
	(tag) =	ssettag s2;
	_ =	strace s9  }
0x27: {  	s1 =	sld [smem:$0x3FA9]  }
0x28: {  	s2 =	sld [smem:$0x3FAA]  }
0x29: {  	s4 =	sld [smem:$0x3FAC]  }
0x2a: {  	p0 =	seq.s32 s5, $0x0;
	s5 =	sld [smem:$0x3FAD]  }
0x2b: {  	s6 =	sld [smem:$0x3FAE]  }
0x2c: {  	s7 =	sld [smem:$0x3FAF]  }
0x2d: {  	s3 =	simm.s32 $0x108;
	s8 =	sld [smem:$0x3FB0]  }
0x2e: {  	s3 =	simm.s32 @!p0 $0x1082;
	s9 =	sld [smem:$0x3FB1]  }
0x2f: {  	lr =	sadd.s32 s0, s3;
	s0 =	sld [smem:$0x3FA8]  }
0x30: {  	s3 =	sld [smem:$0x3FAB]  }
0x31: {  	[smem:$0x3FB4] =	sst s10  }
0x32: {  	s10 =	sld [smem:$0x3FB2];
	_ =	sdelay $0x3  }
0x33: {  	p0 =	seq.s32 s10, $0x1;
	s10 =	sld [smem:$0x3FB4];
	_ =	sdelay $0x3  }
0x34: {  	[smem:$0x3FB4] =	sst s10  }
0x35: {  	s10 =	sld [smem:$0x3FB3];
	_ =	sdelay $0x3  }
0x36: {  	p1 =	seq.s32 s10, $0x1;
	s10 =	sld [smem:$0x3FB4];
	_ =	sdelay $0x3  }
0x37: {  	[smem:$0x3FB4] =	sst s10  }
0x38: {  	s10 =	sld [smem:$0x3FB5]  }
0x39: {  	_ = 	snop;
	(pc) =	sbr.ind lr, $3  }
0x3a: {  	_ = 	snop  }
0x3b: {  	_ = 	snop  }
0x3c: {  	p2 =	seq.s32 s10, $0x1;
	s10 =	sld [smem:$0x3FB4]  }
0x3d: {  	_ =	shalt  }
0x3e: {  	_ =	shalt  }
0x3f: {  	_ =	shalt  }
0x40: {  	_ =	shalt  }
0x41: {  	_ =	shalt  }
0x42: {  	_ =	shalt  }
0x43: {  	_ =	shalt  }
0x44: {  	_ =	shalt  }
0x45: {  	_ =	shalt  }
0x46: {  	_ =	shalt  }
0x47: {  	_ =	shalt  }
0x48: {  	_ =	shalt  }
0x49: {  	_ =	shalt  }
0x4a: {  	_ =	shalt  }
0x4b: {  	_ =	shalt  }
0x4c: {  	_ =	shalt  }
0x4d: {  	_ =	shalt  }
0x4e: {  	_ =	shalt  }
0x4f: {  	_ =	shalt  }
0x50: {  	_ =	shalt  }
0x51: {  	_ =	shalt  }
0x52: {  	_ =	shalt  }
0x53: {  	_ =	shalt  }
0x54: {  	_ =	shalt  }
0x55: {  	_ =	shalt  }
0x56: {  	_ =	shalt  }
0x57: {  	_ =	shalt  }
0x58: {  	_ =	shalt  }
0x59: {  	_ =	shalt  }
0x5a: {  	_ =	shalt  }
0x5b: {  	_ =	shalt  }
0x5c: {  	_ =	shalt  }
0x5d: {  	_ =	shalt  }
0x5e: {  	_ =	shalt  }
0x5f: {  	_ =	shalt  }
0x60: {  	_ =	shalt  }
0x61: {  	_ =	shalt  }
0x62: {  	_ =	shalt  }
0x63: {  	_ =	shalt  }
0x64: {  	_ =	shalt  }
0x65: {  	_ =	shalt  }
0x66: {  	_ =	shalt  }
0x67: {  	_ =	shalt  }
0x68: {  	_ =	shalt  }
0x69: {  	_ =	shalt  }
0x6a: {  	_ =	shalt  }
0x6b: {  	_ =	shalt  }
0x6c: {  	_ =	shalt  }
0x6d: {  	_ =	shalt  }
0x6e: {  	_ =	shalt  }
0x6f: {  	_ =	shalt  }
0x70: {  	_ =	shalt  }
0x71: {  	_ =	shalt  }
0x72: {  	_ =	shalt  }
0x73: {  	_ =	shalt  }
0x74: {  	_ =	shalt  }
0x75: {  	_ =	shalt  }
0x76: {  	_ =	shalt  }
0x77: {  	_ =	shalt  }
0x78: {  	_ =	shalt  }
0x79: {  	_ =	shalt  }
0x7a: {  	_ =	shalt  }
0x7b: {  	_ =	shalt  }
0x7c: {  	_ =	shalt  }
0x7d: {  	_ =	shalt  }
0x7e: {  	_ =	shalt  }
0x7f: {  	_ =	shalt  }
0x80: {  	_ =	shalt  }
0x81: {  	_ =	shalt  }
0x82: {  	_ =	shalt  }
0x83: {  	_ =	shalt  }
0x84: {  	_ =	shalt  }
0x85: {  	_ =	shalt  }
0x86: {  	_ =	shalt  }
0x87: {  	_ =	shalt  }
.Lfunc_end0:
.L_simem_size_0:
called_computation_lowered:
.L_overlay_start_0:
0x88: {  	s2 =	sld [smem:$0x3FD9]  }
0x89: {  	s3 =	sld [smem:$0x3FFE];
	_ =	sdelay $0x1  }
0x8a: {  	s1 =	srdreg.scid  }
0x8b: {  	s0 =	sand.u32 $0x1, s1  }
0x8c: {  	s17 =	sshll.u32 s0, $0xA;
	s2 =	sadd.s32 s3, s2  }
0x8d: {  	s2 =	sadd.s32 s2, s17  }
0x8e: {  	[smem:$0x3FC0] =	sst s2  }
0x8f: {  	_ = 	snop  }
0x90: {  	s2 =	sld [smem:$0x3FD0];
	(tm) =	ssettm $0x1  }
0x91: {  	s18 =	sld [smem:$0x3FFB];
	_ =	sdelay $0x3  }
0x92: {  	_ =	strace s18  }
0x93: {  	s3 =	sld [smem:$0x3FFC];
	_ =	sdelay $0x3  }
0x94: {  	_ =	strace s3  }
0x95: {  	s3 =	sld [smem:$0x3FFD];
	_ =	sdelay $0x3  }
0x96: {  	_ =	strace s3  }
0x97: {  	_ =	strace $0x8FFFFFFF  }
0x98: {  	s19 =	sld [smem:$0x3FDB];
	_ =	sdelay $0x1  }
0x99: {  	s4 =	simm.s32 $_scs_section_size  }
0x9a: {  	s5 =	simm.s32 $_size__tile_overlayer_lowered;
	s6 =	simm.s32 $_tile_overlayer_lowered  }
0x9b: {  	s22 =	simm.s32 $0x1BFF;
	s21 =	sshll.u32 s6, $0x1;
	s3 =	sadd.s32 s4, s19  }
0x9c: {  	s7 =	simm.s32 $0x0;
	s20 =	sshll.u32 s5, $0x1;
	s5 =	sadd.s32 s21, s3  }
0x9d: {  	[timem:s7], [sflag:s22] =	dma.local [hbm:s5], s20  }
0x9e: {  	_ =	swait.ge [sflag:s22], s20  }
0x9f: {  	s4 =	ssub.s32 $0x0, s20;
	[sflag:s22] =	ssyncset.done $0x0  }
0xa0: {  	[sflag:s22] =	ssyncadd.s32 s4;
	_ =	sdelay $0x1  }
0xa1: {  	s23 =	simm.s32 $0x1B8B  }
0xa2: {  	_ =	swait.ge [sflag:s23], $0x1  }
0xa3: {  	[sflag:s23] =	ssyncset.done $0x0  }
0xa4: {  	s25 =	simm.s32 $0x1B8E;
	s24 =	sld [smem:$0x3FFE];
	[sflag:s23] =	ssyncadd.s32 $0xFFFFFFFF  }
0xa5: {  	s26 =	simm.s32 $execute0_lowered;
	[smem:$0x3FD2] =	sst s25  }
0xa6: {  	s5 =	sshll.u32 s26, $0x1;
	_ =	strace $0x80000046;
	[dreg:$0x1] =	wrdreg $0xFFFFFFFF  }
0xa7: {  	s28 =	simm.s32 $_size_execute0_lowered;
	s3 =	sadd.s32 s3, s5;
	[dreg:$0x0] =	wrdreg $0x0  }
0xa8: {  	s5 =	sshll.u32 s28, $0x1;
	[dreg:$0x2] =	wrdreg s3  }
0xa9: {  	[dreg:$0x3] =	wrdreg s5  }
0xaa: {  	[dreg:$0x4] =	wrdreg $0xC0  }
0xab: {  	_ =	task [dreg:s7], $0x5FFFF  }
0xac: {  	[dreg:$0x1] =	wrdreg $0xFFFFFFFF  }
0xad: {  	[dreg:$0x0] =	wrdreg $0x60  }
0xae: {  	[dreg:$0x2] =	wrdreg s2  }
0xaf: {  	[dreg:$0x3] =	wrdreg s24  }
0xb0: {  	[dreg:$0x4] =	wrdreg $0x28800  }
0xb1: {  	[dreg:$0x5] =	wrdreg $0x9  }
0xb2: {  	_ =	task.clear_ibuf [dreg:s7], $0x6FFFF;
	_ =	strace $0x90000046  }
0xb3: {  	s29 =	simm.s32 $0x9;
	_ =	strace $0x80000048  }
0xb4: {  	_ =	swait.ge [sflag:s29], $0x1  }
0xb5: {  	[sflag:s29] =	ssyncadd.s32 $0xFFFFFFFF  }
0xb6: {  	_ =	strace $0x90000048  }
0xb7: {  	_ =	sfence  }
0xb8: {  	s30 =	sld [smem:$0x0];
	_ =	sdelay $0x2  }
0xb9: {  	s31 =	sshll.u32 s1, $0xD;
	s1 =	sshrl.u32 s1, $0x2  }
0xba: {  	s3 =	sand.u32 $0x4000, s31;
	s1 =	sadd.s32 s1, s30  }
0xbb: {  	s0 =	sor.u32 s3, s0;
	s1 =	sshll.u32 s1, $0x11  }
0xbc: {  	s0 =	sor.u32 s1, s0  }
0xbd: {  	s0 =	sadd.s32 $0x8F2B, s0  }
0xbe: {  	[sflag:s0] =	ssyncadd.remote.s32 $0x1  }
0xbf: {  	_ =	sfence.sel $0xFFFF  }
0xc0: {  	[dreg:$0x0] =	wrdreg $0xFFFFFFFF;
	(pc) =	sbr.abs _section_cstart, $3  }
0xc1: {  	[dreg:$0x1] =	wrdreg $0xFFFFFFFF  }
0xc2: {  	_ =	task.clear_ibuf [dreg:s7], $0x2FFFF;
	_ =	strace $0x9FFFFFFF  }
0xc3: {  	(tm) =	ssettm $0x7FFFFFFF  }
tec
execute0_lowered:
.L_overlay_start_1:
0x0: {  	(tag) =	ssettag $0x1  }
0x1: {  	s6 =	rddreg [dreg:$0x0]  }
0x2: {  	s4 =	rddreg [dreg:$0x1]  }
0x3: {  	s2 =	rddreg [dreg:$0x2]  }
0x4: {  	s0 =	rddreg [dreg:$0x3];
	s1 =	stileid.u32  }
0x5: {  	s3 =	simm.s32 $0x0;
	s7 =	srdreg.scid;
	s12 =	simm.s32 $0x2800  }
0x6: {  	s13 =	simm.s32 $0x20;
	s14 =	simm.s32 $0x10;
	s15 =	simm.s32 $0x0  }
0x7: {  	s5 =	smul.u32 $0x280, s1;
	[smem:$0x7FF] =	sst s3;
	s7 =	sand.u32 $0x1, s7  }
0x8: {  	s8 =	smul.u32 $0x500, s1;
	s26 =	sshll.u32 s1, $0x1;
	s31 =	sshll.u32 s1, $0x6  }
0x9: {  	_ =	strace $0x80000047;
	s10 =	sshll.u32 s7, $0x7;
	s11 =	ssub.s32 $0x2, s7  }
0xa: {  	s7 =	sor.u32 s7, s26;
	s9 =	sshrl.u32 s5, $0x3;
	s8 =	sor.u32 s10, s8  }
0xb: {  	s28 =	sshrl.u32 s11, $0x1;
	s7 =	smul.u32 $0x500, s7;
	s30 =	sadd.s32 s5, s2  }
0xc: {  	s5 =	sor.u32 $0x1C01, s31;
	s10 =	simm.s32 $0x1;
	s9 =	sadd.s32 s9, s4  }
0xd: {  	s8 =	sshrl.u32 s8, $0x3;
	s29 =	ssub.s32 s11, s28;
	s11 =	simm.s32 $0x80  }
0xe: {  	s8 =	sadd.s32 s8, s4;
	s4 =	sadd.s32 $0x3400, s9;
	s6 =	sadd.s32 s6, s7  }
0xf: {  	v0 =	vimm.f32 $1.000000000e+00;
	s9 =	sshrl.u32 s30, $0x3;
	s7 =	sadd.s32 $0x3A00, s8;
	s8 =	smax.u32 s29, $0x1  }
.LBB2_1:
0x10: {  	[spmem:s9], [sflag:s5] =	dma.local [hbm:s4], $0x50  }
0x11: {  	_ =	swait.ge [sflag:s10], $0x50  }
0x12: {  	[sflag:s10] =	ssyncset.done $0x0  }
0x13: {  	[sflag:s10] =	ssyncadd.s32 $0xFFFFFFB0  }
0x14: {  	[tilespmem:s3], [sflag:$0x1] =	stream.linear.gather [hbm4b:s6+s3], $0x2800, $0x38;
	[tilespmem:$0x2B00] =	vst v63  }
0x15: {  	_ =	swait.ge [sflag:s10], $0x2800  }
0x16: {  	[sflag:s10] =	ssyncset.done $0x0  }
0x17: {  	[sflag:s10] =	ssyncadd.s32 $0xFFFFD800  }
0x18: {  	[tilespmem:$0x2800] =	vst v0  }
0x19: {  	[tilespmem:$0x2810] =	vst v0  }
0x1a: {  	[tilespmem:$0x2820] =	vst v0  }
0x1b: {  	[tilespmem:$0x2830] =	vst v0  }
0x1c: {  	[tilespmem:$0x2840] =	vst v0  }
0x1d: {  	[tilespmem:$0x2850] =	vst v0  }
0x1e: {  	[tilespmem:$0x2860] =	vst v0  }
0x1f: {  	[tilespmem:$0x2870] =	vst v0  }
0x20: {  	s16 =	simm.s32 $0x0;
	[bflag:$0x0] =	sbarrier.arrive $0xFFFF  }
0x21: {  	[spmem:s2] =	stream.indirect.scatter.add.f32 [tilespmem:s12], [sflag:$0x1], $0x1, s16, s11, $0xb8;
	[tilespmem:$0x2B00] =	vst v63  }
0x22: {  	_ =	swait.ge [sflag:s10], $0x80  }
0x23: {  	s16 =	simm.s32 $0x200;
	[sflag:s10] =	ssyncset.done $0x0  }
.LBB2_2:
0x24: {  	s17 =	sshra.s32 s16, $0x2;
	[sflag:s10] =	ssyncadd.s32 $0xFFFFFF80;
	p0 =	sne.s32 s16, $0x9E00  }
0x25: {  	[spmem:s2] =	stream.indirect.scatter.add.f32 [tilespmem:s12], [sflag:$0x1], $0x1, s17, s11, $0xb8;
	[tilespmem:$0x2B00] =	vst v63  }
.Ltmp0:
0x26: {  	_ = 	snop;
	(pc) =	sbr.rel @p0 .LBB2_2-.Ltmp0, $4  }
0x27: {  	_ = 	snop  }
0x28: {  	s16 =	sadd.s32 $0x200, s16  }
0x29: {  	_ =	swait.ge [sflag:s10], $0x80  }
0x2a: {  	[sflag:s10] =	ssyncset.done $0x0  }
0x2b: {  	s15 =	sadd.s32 $0x1, s15  }
0x2c: {  	[sflag:s10] =	ssyncadd.s32 $0xFFFFFF80;
	p0 =	sne.s32 s15, s8  }
.Ltmp1:
0x2d: {  	[bflag:$0x0] =	sbarrier.arrive $0xFFFF;
	(pc) =	sbr.rel @p0 .LBB2_1-.Ltmp1, $4  }
0x2e: {  	[hbm:s7@s13], [sflag:s5] =	dma.strided [spmem:s9@s14], $0x50, s10, $0x10   }
0x2f: {  	_ =	swait.ge [sflag:s10], $0x50  }
0x30: {  	[sflag:s10] =	ssyncset.done $0x0  }
0x31: {  	[sflag:s10] =	ssyncadd.s32 $0xFFFFFFB0  }
0x32: {  	_ =	sfence.sel $0x180000  }
0x33: {  	[bflag:$0x0] =	sbarrier.arrive $0xFFFF  }
0x34: {  	p0 =	sne.s32 s1, $0x0;
	_ =	strace $0x90000047  }
0x35: {  	s0 =	sadd.s32 @!p0 $0x100000, s0;
	[bflag:$0x2] =	sbarrier.arrive $0xFFFF  }
0x36: {  	[sflag:s0] =	ssyncadd.tile.s32 @!p0 $0x1;
	_ =	shalt  }
.Lfunc_end2:
_tile_overlayer_lowered:
.L_overlay_start_2:
0x37: {  	(tag) =	ssettag $0x2  }
0x38: {  	s0 =	rddreg [dreg:$0x0];
	s2 =	stileid.u32  }
0x39: {  	s1 =	rddreg [dreg:$0x1];
	p0 =	sne.s32 s2, $0x0  }
0x3a: {  	s3 =	rddreg [dreg:$0x2];
	[bflag:$0x3] =	sbarrier.arrive $0xFFFF;
	s2 =	simm.s32 @!p0 $0x1C01  }
0x3b: {  	[timem:s3], [sflag:s2] =	dma.local @!p0 [hbm:s0], s1  }
0x3c: {  	s0 =	simm.s32 @!p0 $0x1  }
0x3d: {  	_ =	swait.ge @!p0 [sflag:s0], s1  }
0x3e: {  	s1 =	ssub.s32 @!p0 $0x0, s1;
	[sflag:s0] =	ssyncset.done @!p0 $0x0  }
0x3f: {  	[sflag:s0] =	ssyncadd.s32 @!p0 s1  }
0x40: {  	[bflag:$0x3] =	sbarrier.arrive $0xFFFF  }
0x41: {  	_ =	shalt  }

</sc_bundles>
